<compile_context>
chip_gen: v7x
topology: tpu7x:2x2x1
jax: 0.10.2.dev20260603
libtpu: 0.0.44.dev20260713+nightly
codegen_flags: <defaults>
</compile_context>

<pallas_src>
import functools
import jax
import jax.numpy as jnp
from jax import lax
from jax.experimental import pallas as pl
from jax.experimental.pallas import tpu as pltpu
from jax.experimental.pallas import tpu_sc as plsc

_E = 6400000
_NV = 100000
_NVP = 100352
_HALF = _NVP // 2
_MCOL = 7168
_NW = 32
_EPW = _E // _NW
_CH = 4000
_NCH = _EPW // _CH
_NGR = _CH // 16

_R = 50000
_C = 128
_BLK = 2000
_NB = _R // _BLK

def _gumbel_noise():
    u = jax.random.uniform(
        jax.random.fold_in(jax.random.key(42), 1), (_E,), dtype=jnp.float32,
        minval=1e-20, maxval=1.0)
    return -jnp.log(-jnp.log(u)).reshape(_R, _C)


def _zstat_body(tau_ref, e_ref, g_ref, z_ref, m_ref, s_ref):
    z = (e_ref[...] + g_ref[...]) / tau_ref[0, 0]
    z_ref[...] = z
    m = jnp.max(z)
    m_ref[...] = jnp.full((8, _C), m, jnp.float32)
    s_ref[...] = jnp.full((8, _C), jnp.sum(jnp.exp(z - m)), jnp.float32)


def _norm_body(m_ref, s_ref, z_ref, y_ref):
    y_ref[...] = jnp.exp(z_ref[...] - m_ref[0, 0]) / s_ref[0, 0]


def _scalar_spec():
    return pl.BlockSpec((1, 1), lambda i: (0, 0), memory_space=pltpu.SMEM)


def _blk_spec():
    return pl.BlockSpec((_BLK, _C), lambda i: (i, 0))


def _segmax_body(idx_hbm, z_hbm, out_hbm, table, idxb, zb, idxb2, zb2,
                 sem0, sem1):
    cid = lax.axis_index("c")
    sid = lax.axis_index("s")
    wid = sid * 2 + cid
    base = wid * _EPW

    neg = jnp.full((16,), -jnp.inf, jnp.float32)

    def _init(i, carry):
        table[pl.ds(i * 16, 16)] = neg
        return carry

    lax.fori_loop(0, _NVP // 16, _init, 0)

    def _start(c, ib, vb, sem):
        off = base + c * _CH
        pltpu.async_copy(idx_hbm.at[pl.ds(off, _CH)], ib, sem)
        pltpu.async_copy(z_hbm.at[pl.ds(off, _CH)], vb, sem)

    def _wait(c, ib, vb, sem):
        off = base + c * _CH
        pltpu.make_async_copy(idx_hbm.at[pl.ds(off, _CH)], ib, sem).wait()
        pltpu.make_async_copy(z_hbm.at[pl.ds(off, _CH)], vb, sem).wait()

    _start(0, idxb, zb, sem0)
    _start(1, idxb2, zb2, sem1)

    def _outer(i, carry):
        for b, (ib, vb, sem) in enumerate(
                ((idxb, zb, sem0), (idxb2, zb2, sem1))):
            c = i * 2 + b
            _wait(c, ib, vb, sem)

            def _group(g, carry2, ib=ib, vb=vb):
                sl = pl.ds(g * 16, 16)
                k = ib[sl]
                v = vb[sl]
                vs, ks = plsc.sort_key_val(v, k)
                t = plsc.load_gather(table, [ks])
                nv = jnp.maximum(t, vs)
                plsc.store_scatter(table, [ks], nv)
                return carry2

            lax.fori_loop(0, _NGR, _group, 0)

            @pl.when(c + 2 < _NCH)
            def _prefetch(ib=ib, vb=vb, sem=sem, c=c):
                _start(c + 2, ib, vb, sem)
        return carry

    lax.fori_loop(0, _NCH // 2, _outer, 0)

    pltpu.sync_copy(table, out_hbm.at[pl.ds(wid * _NVP, _NVP)])


def _mergemax_body(t_ref, o_ref):
    o_ref[...] = jnp.max(t_ref[...], axis=0)


def _onehot_body(idx_hbm, z_hbm, segmax_hbm, yh_hbm, table, idxb, zb,
                 idxb2, zb2, ob, sem0, sem1):
    cid = lax.axis_index("c")
    sid = lax.axis_index("s")
    wid = sid * 2 + cid
    base = wid * _EPW
    pltpu.sync_copy(segmax_hbm, table)

    def _start(c, ib, vb, sem):
        off = base + c * _CH
        pltpu.async_copy(idx_hbm.at[pl.ds(off, _CH)], ib, sem)
        pltpu.async_copy(z_hbm.at[pl.ds(off, _CH)], vb, sem)

    def _wait(c, ib, vb, sem):
        off = base + c * _CH
        pltpu.make_async_copy(idx_hbm.at[pl.ds(off, _CH)], ib, sem).wait()
        pltpu.make_async_copy(z_hbm.at[pl.ds(off, _CH)], vb, sem).wait()

    _start(0, idxb, zb, sem0)
    _start(1, idxb2, zb2, sem1)

    def _outer(i, carry):
        for b, (ib, vb, sem) in enumerate(
                ((idxb, zb, sem0), (idxb2, zb2, sem1))):
            c = i * 2 + b
            _wait(c, ib, vb, sem)

            @plsc.parallel_loop(0, _NGR, unroll=4)
            def _group(g, ib=ib, vb=vb):
                sl = pl.ds(g * 16, 16)
                k = ib[sl]
                v = vb[sl]
                t = plsc.load_gather(table, [k])
                ob[sl] = jnp.where(v == t, jnp.float32(1.0), jnp.float32(0.0))

            off = base + c * _CH
            pltpu.sync_copy(ob, yh_hbm.at[pl.ds(off, _CH)])

            @pl.when(c + 2 < _NCH)
            def _prefetch(ib=ib, vb=vb, sem=sem, c=c):
                _start(c + 2, ib, vb, sem)
        return carry

    lax.fori_loop(0, _NCH // 2, _outer, 0)


_SC_CACHE = []


def _sc_kernels():
    if not _SC_CACHE:
        mesh = plsc.VectorSubcoreMesh(core_axis_name="c", subcore_axis_name="s")
        params = pltpu.CompilerParams(needs_layout_passes=False)
        segmax = pl.kernel(
            _segmax_body,
            out_type=jax.ShapeDtypeStruct((_NW * _NVP,), jnp.float32),
            mesh=mesh,
            compiler_params=params,
            scratch_types=[
                pltpu.VMEM((_NVP,), jnp.float32),
                pltpu.VMEM((_CH,), jnp.int32),
                pltpu.VMEM((_CH,), jnp.float32),
                pltpu.VMEM((_CH,), jnp.int32),
                pltpu.VMEM((_CH,), jnp.float32),
                pltpu.SemaphoreType.DMA,
                pltpu.SemaphoreType.DMA,
            ],
        )
        onehot = pl.kernel(
            _onehot_body,
            out_type=jax.ShapeDtypeStruct((_E,), jnp.float32),
            mesh=mesh,
            compiler_params=params,
            scratch_types=[
                pltpu.VMEM((_NVP,), jnp.float32),
                pltpu.VMEM((_CH,), jnp.int32),
                pltpu.VMEM((_CH,), jnp.float32),
                pltpu.VMEM((_CH,), jnp.int32),
                pltpu.VMEM((_CH,), jnp.float32),
                pltpu.VMEM((_CH,), jnp.float32),
                pltpu.SemaphoreType.DMA,
                pltpu.SemaphoreType.DMA,
            ],
        )
        _SC_CACHE.append((segmax, onehot))
    return _SC_CACHE[0]


def kernel(e, cross_edge_index, tau):
    tau2 = jnp.asarray(tau, jnp.float32).reshape(1, 1)
    e2 = e.reshape(_R, _C)

    z2, pm, ps = pl.pallas_call(
        _zstat_body,
        grid=(_NB,),
        in_specs=[_scalar_spec(), _blk_spec(), _blk_spec()],
        out_specs=[
            _blk_spec(),
            pl.BlockSpec((8, _C), lambda i: (i, 0)),
            pl.BlockSpec((8, _C), lambda i: (i, 0)),
        ],
        out_shape=[
            jax.ShapeDtypeStruct((_R, _C), jnp.float32),
            jax.ShapeDtypeStruct((_NB * 8, _C), jnp.float32),
            jax.ShapeDtypeStruct((_NB * 8, _C), jnp.float32),
        ],
    )(tau2, e2, _gumbel_noise())

    pmv = pm[::8, 0]
    psv = ps[::8, 0]
    m = jnp.max(pmv)
    s = jnp.sum(psv * jnp.exp(pmv - m))

    y2 = pl.pallas_call(
        _norm_body,
        grid=(_NB,),
        in_specs=[_scalar_spec(), _scalar_spec(), _blk_spec()],
        out_specs=_blk_spec(),
        out_shape=jax.ShapeDtypeStruct((_R, _C), jnp.float32),
    )(m.reshape(1, 1), s.reshape(1, 1), z2)

    z1 = z2.reshape(_E)
    idx = cross_edge_index[1]
    segmax_k, onehot_k = _sc_kernels()
    tabs = segmax_k(idx, z1)
    segmax = pl.pallas_call(
        _mergemax_body,
        grid=(_NVP // _MCOL,),
        in_specs=[pl.BlockSpec((_NW, _MCOL), lambda i: (0, i))],
        out_specs=pl.BlockSpec((_MCOL,), lambda i: (i,)),
        out_shape=jax.ShapeDtypeStruct((_NVP,), jnp.float32),
    )(tabs.reshape(_NW, _NVP))
    yh = onehot_k(idx, z1, segmax)
    return (y2.reshape(_E)[:, None], yh[:, None])

# --- scband reference (transcript-rebuilt; emitter-appended) ---
"""Pipeline reference for scband-gumbel-softmax-7507602833465 (READ-ONLY COPY).

The authoritative reference and input builder live on the scoring server;
editing this copy changes nothing except your own understanding.
"""

import jax, jax.numpy as jnp
import numpy as np

E = 6400000
N_VOXELS = 100000

def setup_inputs(seed: int = 0) -> dict:
    key = jax.random.key(seed)
    k1, k2 = jax.random.split(key)
    e = jax.random.normal(k1, (E,), dtype=jnp.float32)
    cross_edge_index = jax.random.randint(k2, (2, E), 0, N_VOXELS, dtype=jnp.int32)
    return {"e": e, "cross_edge_index": cross_edge_index, "tau": jnp.float32(1.0)}

def reference(e, cross_edge_index, tau=1.0):
    # gumbel noise: -log(-log(U)) with U ~ uniform(0,1)
    nkey = jax.random.fold_in(jax.random.key(42), 1)
    u = jax.random.uniform(nkey, e.shape, dtype=e.dtype, minval=1e-20, maxval=1.0)
    gumbel_noise = -jnp.log(-jnp.log(u))
    y = jax.nn.softmax((e + gumbel_noise) / tau, axis=0)
    idx = cross_edge_index[1]
    num_voxels = N_VOXELS
    # scatter_max argmax: per-segment max value, then smallest edge index attaining it
    seg_max = jax.ops.segment_max(y, idx, num_segments=num_voxels)
    n_edges = y.shape[0]
    cand = jnp.where(y == seg_max[idx], jnp.arange(n_edges, dtype=jnp.int32), jnp.int32(n_edges))
    y_max = jax.ops.segment_min(cand, idx, num_segments=num_voxels)
    # one-hot write at argmax positions (out-of-range sentinels for empty segments are dropped)
    y_hard = jnp.zeros_like(y).at[y_max].set(1.0, mode="drop")
    # straight-through estimator
    y_hard = y_hard - jax.lax.stop_gradient(y) + y
    return (y[:, None], y_hard[:, None])

if __name__ == "__main__":
    import jax
    _d = setup_inputs()
    print(jax.jit(kernel)(*tuple(_d.values())))

</pallas_src>

<mosaic_0001>
#map = affine_map<(d0, d1) -> (0)>
module attributes {stable_mosaic.version = 14 : i64} {
  func.func @_onehot_body(%arg0: i32, %arg1: i32, %arg2: memref<6400000xi32, #tpu.memory_space<hbm>>, %arg3: memref<6400000xf32, #tpu.memory_space<hbm>>, %arg4: memref<100352xf32, #tpu.memory_space<hbm>>, %arg5: memref<6400000xf32, #tpu.memory_space<hbm>>, %arg6: memref<100352xf32, #tpu.memory_space<vmem>>, %arg7: memref<4000xi32, #tpu.memory_space<vmem>>, %arg8: memref<4000xf32, #tpu.memory_space<vmem>>, %arg9: memref<4000xi32, #tpu.memory_space<vmem>>, %arg10: memref<4000xf32, #tpu.memory_space<vmem>>, %arg11: memref<4000xf32, #tpu.memory_space<vmem>>, %arg12: memref<!tpu.dma_semaphore, #tpu.memory_space<semaphore_mem>>, %arg13: memref<!tpu.dma_semaphore, #tpu.memory_space<semaphore_mem>>) attributes {dimension_semantics = [#tpu.dimension_semantics<core_parallel>, #tpu.dimension_semantics<subcore_parallel>], iteration_bounds = array<i64: 2, 16>, scalar_prefetch = 0 : i64, scratch_operands = 8 : i64, tpu.core_type = #tpu.core_type<sc_vector_subcore>, window_params = [{transform_indices = #map}, {transform_indices = #map}, {transform_indices = #map}, {transform_indices = #map}]} {
    %mul3A = arith.constant 2 : i32
    %mul3A_0 = arith.muli %arg1, %mul3A : i32
    %add3A = arith.addi %mul3A_0, %arg0 : i32
    %mul3A_1 = arith.constant 200000 : i32
    %mul3A_2 = arith.muli %add3A, %mul3A_1 : i32
    "tpu.region"() ({
      %run_scoped3A = tpu.sem_alloc : memref<!tpu.dma_semaphore, #tpu.memory_space<semaphore_mem>>
      tpu.enqueue_dma source(%arg4 : memref<100352xf32, #tpu.memory_space<hbm>>) target(%arg6 : memref<100352xf32, #tpu.memory_space<vmem>>) target_semaphore(%run_scoped3A : memref<!tpu.dma_semaphore, #tpu.memory_space<semaphore_mem>>)
      tpu.wait_dma2 semaphore(%run_scoped3A : memref<!tpu.dma_semaphore, #tpu.memory_space<semaphore_mem>>) src(%arg4 : memref<100352xf32, #tpu.memory_space<hbm>>) dst(%arg6 : memref<100352xf32, #tpu.memory_space<vmem>>)
      tpu.yield
    }) : () -> ()
    %add3A_3 = arith.constant 0 : i32
    %add3A_4 = arith.addi %mul3A_2, %add3A_3 : i32
    %dma_start3A = tpu.memref_slice %arg2[%add3A_4] : memref<6400000xi32, #tpu.memory_space<hbm>> -> memref<4000xi32, #tpu.memory_space<hbm>>
    %dma_start3A_5 = tpu.memref_slice %arg2[%add3A_4] : memref<6400000xi32, #tpu.memory_space<hbm>> -> memref<4000xi32, #tpu.memory_space<hbm>>
    tpu.enqueue_dma source(%dma_start3A_5 : memref<4000xi32, #tpu.memory_space<hbm>>) target(%arg7 : memref<4000xi32, #tpu.memory_space<vmem>>) target_semaphore(%arg12 : memref<!tpu.dma_semaphore, #tpu.memory_space<semaphore_mem>>)
    %dma_start3A_6 = tpu.memref_slice %arg3[%add3A_4] : memref<6400000xf32, #tpu.memory_space<hbm>> -> memref<4000xf32, #tpu.memory_space<hbm>>
    %dma_start3A_7 = tpu.memref_slice %arg3[%add3A_4] : memref<6400000xf32, #tpu.memory_space<hbm>> -> memref<4000xf32, #tpu.memory_space<hbm>>
    tpu.enqueue_dma source(%dma_start3A_7 : memref<4000xf32, #tpu.memory_space<hbm>>) target(%arg8 : memref<4000xf32, #tpu.memory_space<vmem>>) target_semaphore(%arg12 : memref<!tpu.dma_semaphore, #tpu.memory_space<semaphore_mem>>)
    %add3A_8 = arith.constant 4000 : i32
    %add3A_9 = arith.addi %mul3A_2, %add3A_8 : i32
    %dma_start3A_10 = tpu.memref_slice %arg2[%add3A_9] : memref<6400000xi32, #tpu.memory_space<hbm>> -> memref<4000xi32, #tpu.memory_space<hbm>>
    %dma_start3A_11 = tpu.memref_slice %arg2[%add3A_9] : memref<6400000xi32, #tpu.memory_space<hbm>> -> memref<4000xi32, #tpu.memory_space<hbm>>
    tpu.enqueue_dma source(%dma_start3A_11 : memref<4000xi32, #tpu.memory_space<hbm>>) target(%arg9 : memref<4000xi32, #tpu.memory_space<vmem>>) target_semaphore(%arg13 : memref<!tpu.dma_semaphore, #tpu.memory_space<semaphore_mem>>)
    %dma_start3A_12 = tpu.memref_slice %arg3[%add3A_9] : memref<6400000xf32, #tpu.memory_space<hbm>> -> memref<4000xf32, #tpu.memory_space<hbm>>
    %dma_start3A_13 = tpu.memref_slice %arg3[%add3A_9] : memref<6400000xf32, #tpu.memory_space<hbm>> -> memref<4000xf32, #tpu.memory_space<hbm>>
    tpu.enqueue_dma source(%dma_start3A_13 : memref<4000xf32, #tpu.memory_space<hbm>>) target(%arg10 : memref<4000xf32, #tpu.memory_space<vmem>>) target_semaphore(%arg13 : memref<!tpu.dma_semaphore, #tpu.memory_space<semaphore_mem>>)
    %scan3A = arith.constant 0 : i32
    %scan3A_14 = arith.constant 0 : i32
    %scan3A_15 = arith.constant 25 : i32
    %scan3A_16 = arith.addi %scan3A_14, %scan3A_15 : i32
    %scan3A_17 = arith.constant 1 : i32
    scf.for %scan3A_19 = %scan3A_14 to %scan3A_16 step %scan3A_17  : i32 {
      %mul3A_20 = arith.constant 2 : i32
      %mul3A_21 = arith.muli %scan3A_19, %mul3A_20 : i32
      %add3A_22 = arith.constant 0 : i32
      %add3A_23 = arith.addi %mul3A_21, %add3A_22 : i32
      %mul3A_24 = arith.constant 4000 : i32
      %mul3A_25 = arith.muli %add3A_23, %mul3A_24 : i32
      %add3A_26 = arith.addi %mul3A_2, %mul3A_25 : i32
      %dma_wait3A = tpu.memref_slice %arg2[%add3A_26] : memref<6400000xi32, #tpu.memory_space<hbm>> -> memref<4000xi32, #tpu.memory_space<hbm>>
      %dma_wait3A_27 = tpu.memref_slice %arg2[%add3A_26] : memref<6400000xi32, #tpu.memory_space<hbm>> -> memref<4000xi32, #tpu.memory_space<hbm>>
      tpu.wait_dma2 semaphore(%arg12 : memref<!tpu.dma_semaphore, #tpu.memory_space<semaphore_mem>>) src(%dma_wait3A_27 : memref<4000xi32, #tpu.memory_space<hbm>>) dst(%arg7 : memref<4000xi32, #tpu.memory_space<vmem>>)
      %dma_wait3A_28 = tpu.memref_slice %arg3[%add3A_26] : memref<6400000xf32, #tpu.memory_space<hbm>> -> memref<4000xf32, #tpu.memory_space<hbm>>
      %dma_wait3A_29 = tpu.memref_slice %arg3[%add3A_26] : memref<6400000xf32, #tpu.memory_space<hbm>> -> memref<4000xf32, #tpu.memory_space<hbm>>
      tpu.wait_dma2 semaphore(%arg12 : memref<!tpu.dma_semaphore, #tpu.memory_space<semaphore_mem>>) src(%dma_wait3A_29 : memref<4000xf32, #tpu.memory_space<hbm>>) dst(%arg8 : memref<4000xf32, #tpu.memory_space<vmem>>)
      %parallel_loop3A = arith.constant 0 : i32
      %parallel_loop3A_30 = arith.constant 250 : i32
      %parallel_loop3A_31 = arith.constant 1 : i32
      scf.for %parallel_loop3A_63 = %parallel_loop3A to %parallel_loop3A_30 step %parallel_loop3A_31  : i32 {
        %parallel_loop3A_64 = arith.constant 16 : i32
        %parallel_loop3A_65 = arith.muli %parallel_loop3A_63, %parallel_loop3A_64 : i32
        %parallel_loop3A_66 = arith.index_cast %parallel_loop3A_65 : i32 to index
        %parallel_loop3A_67 = tpu.vector_load %arg7[%parallel_loop3A_66] {strides = array<i32>} : memref<4000xi32, #tpu.memory_space<vmem>>, vector<16xi32>,
        %parallel_loop3A_68 = arith.index_cast %parallel_loop3A_65 : i32 to index
        %parallel_loop3A_69 = tpu.vector_load %arg8[%parallel_loop3A_68] {strides = array<i32>} : memref<4000xf32, #tpu.memory_space<vmem>>, vector<16xf32>,
        %parallel_loop3A_70 = tpu.vector_load_idx %arg6[%parallel_loop3A_67] : memref<100352xf32, #tpu.memory_space<vmem>>[vector<16xi32>], vector<16xf32>,
        %parallel_loop3A_71 = arith.cmpf oeq, %parallel_loop3A_69, %parallel_loop3A_70 : vector<16xf32>
        %parallel_loop3A_72 = arith.constant 1.000000e+00 : f32
        %parallel_loop3A_73 = arith.constant 0.000000e+00 : f32
        %parallel_loop3A_74 = vector.broadcast %parallel_loop3A_72 : f32 to vector<16xf32>
        %parallel_loop3A_75 = vector.broadcast %parallel_loop3A_73 : f32 to vector<16xf32>
        %parallel_loop3A_76 = arith.select %parallel_loop3A_71, %parallel_loop3A_74, %parallel_loop3A_75 : vector<16xi1>, vector<16xf32>
        %parallel_loop3A_77 = arith.index_cast %parallel_loop3A_65 : i32 to index
        %parallel_loop3A_78 = tpu.vector_load %arg11[%parallel_loop3A_77] {strides = array<i32>} : memref<4000xf32, #tpu.memory_space<vmem>>, vector<16xf32>,
        tpu.vector_store %arg11[%parallel_loop3A_77], %parallel_loop3A_76 {strides = array<i32>} : memref<4000xf32, #tpu.memory_space<vmem>>, vector<16xf32>,
      } {sc.loop_unroll_factor = 4 : i64, sc.parallel_access}
      %mul3A_32 = arith.constant 4000 : i32
      %mul3A_33 = arith.muli %add3A_23, %mul3A_32 : i32
      %add3A_34 = arith.addi %mul3A_2, %mul3A_33 : i32
      "tpu.region"() ({
        %run_scoped3A = tpu.sem_alloc : memref<!tpu.dma_semaphore, #tpu.memory_space<semaphore_mem>>
        %dma_start3A_63 = tpu.memref_slice %arg5[%add3A_34] : memref<6400000xf32, #tpu.memory_space<hbm>> -> memref<4000xf32, #tpu.memory_space<hbm>>
        %dma_start3A_64 = tpu.memref_slice %arg5[%add3A_34] : memref<6400000xf32, #tpu.memory_space<hbm>> -> memref<4000xf32, #tpu.memory_space<hbm>>
        tpu.enqueue_dma source(%arg11 : memref<4000xf32, #tpu.memory_space<vmem>>) target(%dma_start3A_64 : memref<4000xf32, #tpu.memory_space<hbm>>) target_semaphore(%run_scoped3A : memref<!tpu.dma_semaphore, #tpu.memory_space<semaphore_mem>>)
        %dma_wait3A_65 = tpu.memref_slice %arg5[%add3A_34] : memref<6400000xf32, #tpu.memory_space<hbm>> -> memref<4000xf32, #tpu.memory_space<hbm>>
        %dma_wait3A_66 = tpu.memref_slice %arg5[%add3A_34] : memref<6400000xf32, #tpu.memory_space<hbm>> -> memref<4000xf32, #tpu.memory_space<hbm>>
        tpu.wait_dma2 semaphore(%run_scoped3A : memref<!tpu.dma_semaphore, #tpu.memory_space<semaphore_mem>>) src(%arg11 : memref<4000xf32, #tpu.memory_space<vmem>>) dst(%dma_wait3A_66 : memref<4000xf32, #tpu.memory_space<hbm>>)
        tpu.yield
      }) : () -> ()
      %add3A_35 = arith.constant 2 : i32
      %add3A_36 = arith.addi %add3A_23, %add3A_35 : i32
      %lt3A = arith.constant 50 : i32
      %lt3A_37 = arith.cmpi slt, %add3A_36, %lt3A : i32
      %convert_element_type3A = arith.extui %lt3A_37 : i1 to i32
      %cond3A = arith.constant 0 : i32
      %cond3A_38 = arith.cmpi ne, %convert_element_type3A, %cond3A : i32
      scf.if %cond3A_38 {
        %add3A_63 = arith.constant 2 : i32
        %add3A_64 = arith.addi %add3A_23, %add3A_63 : i32
        %mul3A_65 = arith.constant 4000 : i32
        %mul3A_66 = arith.muli %add3A_64, %mul3A_65 : i32
        %add3A_67 = arith.addi %mul3A_2, %mul3A_66 : i32
        %dma_start3A_68 = tpu.memref_slice %arg2[%add3A_67] : memref<6400000xi32, #tpu.memory_space<hbm>> -> memref<4000xi32, #tpu.memory_space<hbm>>
        %dma_start3A_69 = tpu.memref_slice %arg2[%add3A_67] : memref<6400000xi32, #tpu.memory_space<hbm>> -> memref<4000xi32, #tpu.memory_space<hbm>>
        tpu.enqueue_dma source(%dma_start3A_69 : memref<4000xi32, #tpu.memory_space<hbm>>) target(%arg7 : memref<4000xi32, #tpu.memory_space<vmem>>) target_semaphore(%arg12 : memref<!tpu.dma_semaphore, #tpu.memory_space<semaphore_mem>>)
        %dma_start3A_70 = tpu.memref_slice %arg3[%add3A_67] : memref<6400000xf32, #tpu.memory_space<hbm>> -> memref<4000xf32, #tpu.memory_space<hbm>>
        %dma_start3A_71 = tpu.memref_slice %arg3[%add3A_67] : memref<6400000xf32, #tpu.memory_space<hbm>> -> memref<4000xf32, #tpu.memory_space<hbm>>
        tpu.enqueue_dma source(%dma_start3A_71 : memref<4000xf32, #tpu.memory_space<hbm>>) target(%arg8 : memref<4000xf32, #tpu.memory_space<vmem>>) target_semaphore(%arg12 : memref<!tpu.dma_semaphore, #tpu.memory_space<semaphore_mem>>)
      } else {
      }
      %mul3A_39 = arith.constant 2 : i32
      %mul3A_40 = arith.muli %scan3A_19, %mul3A_39 : i32
      %add3A_41 = arith.constant 1 : i32
      %add3A_42 = arith.addi %mul3A_40, %add3A_41 : i32
      %mul3A_43 = arith.constant 4000 : i32
      %mul3A_44 = arith.muli %add3A_42, %mul3A_43 : i32
      %add3A_45 = arith.addi %mul3A_2, %mul3A_44 : i32
      %dma_wait3A_46 = tpu.memref_slice %arg2[%add3A_45] : memref<6400000xi32, #tpu.memory_space<hbm>> -> memref<4000xi32, #tpu.memory_space<hbm>>
      %dma_wait3A_47 = tpu.memref_slice %arg2[%add3A_45] : memref<6400000xi32, #tpu.memory_space<hbm>> -> memref<4000xi32, #tpu.memory_space<hbm>>
      tpu.wait_dma2 semaphore(%arg13 : memref<!tpu.dma_semaphore, #tpu.memory_space<semaphore_mem>>) src(%dma_wait3A_47 : memref<4000xi32, #tpu.memory_space<hbm>>) dst(%arg9 : memref<4000xi32, #tpu.memory_space<vmem>>)
      %dma_wait3A_48 = tpu.memref_slice %arg3[%add3A_45] : memref<6400000xf32, #tpu.memory_space<hbm>> -> memref<4000xf32, #tpu.memory_space<hbm>>
      %dma_wait3A_49 = tpu.memref_slice %arg3[%add3A_45] : memref<6400000xf32, #tpu.memory_space<hbm>> -> memref<4000xf32, #tpu.memory_space<hbm>>
      tpu.wait_dma2 semaphore(%arg13 : memref<!tpu.dma_semaphore, #tpu.memory_space<semaphore_mem>>) src(%dma_wait3A_49 : memref<4000xf32, #tpu.memory_space<hbm>>) dst(%arg10 : memref<4000xf32, #tpu.memory_space<vmem>>)
      %parallel_loop3A_50 = arith.constant 0 : i32
      %parallel_loop3A_51 = arith.constant 250 : i32
      %parallel_loop3A_52 = arith.constant 1 : i32
      scf.for %parallel_loop3A_63 = %parallel_loop3A_50 to %parallel_loop3A_51 step %parallel_loop3A_52  : i32 {
        %parallel_loop3A_64 = arith.constant 16 : i32
        %parallel_loop3A_65 = arith.muli %parallel_loop3A_63, %parallel_loop3A_64 : i32
        %parallel_loop3A_66 = arith.index_cast %parallel_loop3A_65 : i32 to index
        %parallel_loop3A_67 = tpu.vector_load %arg9[%parallel_loop3A_66] {strides = array<i32>} : memref<4000xi32, #tpu.memory_space<vmem>>, vector<16xi32>,
        %parallel_loop3A_68 = arith.index_cast %parallel_loop3A_65 : i32 to index
        %parallel_loop3A_69 = tpu.vector_load %arg10[%parallel_loop3A_68] {strides = array<i32>} : memref<4000xf32, #tpu.memory_space<vmem>>, vector<16xf32>,
        %parallel_loop3A_70 = tpu.vector_load_idx %arg6[%parallel_loop3A_67] : memref<100352xf32, #tpu.memory_space<vmem>>[vector<16xi32>], vector<16xf32>,
        %parallel_loop3A_71 = arith.cmpf oeq, %parallel_loop3A_69, %parallel_loop3A_70 : vector<16xf32>
        %parallel_loop3A_72 = arith.constant 1.000000e+00 : f32
        %parallel_loop3A_73 = arith.constant 0.000000e+00 : f32
        %parallel_loop3A_74 = vector.broadcast %parallel_loop3A_72 : f32 to vector<16xf32>
        %parallel_loop3A_75 = vector.broadcast %parallel_loop3A_73 : f32 to vector<16xf32>
        %parallel_loop3A_76 = arith.select %parallel_loop3A_71, %parallel_loop3A_74, %parallel_loop3A_75 : vector<16xi1>, vector<16xf32>
        %parallel_loop3A_77 = arith.index_cast %parallel_loop3A_65 : i32 to index
        %parallel_loop3A_78 = tpu.vector_load %arg11[%parallel_loop3A_77] {strides = array<i32>} : memref<4000xf32, #tpu.memory_space<vmem>>, vector<16xf32>,
        tpu.vector_store %arg11[%parallel_loop3A_77], %parallel_loop3A_76 {strides = array<i32>} : memref<4000xf32, #tpu.memory_space<vmem>>, vector<16xf32>,
      } {sc.loop_unroll_factor = 4 : i64, sc.parallel_access}
      %mul3A_53 = arith.constant 4000 : i32
      %mul3A_54 = arith.muli %add3A_42, %mul3A_53 : i32
      %add3A_55 = arith.addi %mul3A_2, %mul3A_54 : i32
      "tpu.region"() ({
        %run_scoped3A = tpu.sem_alloc : memref<!tpu.dma_semaphore, #tpu.memory_space<semaphore_mem>>
        %dma_start3A_63 = tpu.memref_slice %arg5[%add3A_55] : memref<6400000xf32, #tpu.memory_space<hbm>> -> memref<4000xf32, #tpu.memory_space<hbm>>
        %dma_start3A_64 = tpu.memref_slice %arg5[%add3A_55] : memref<6400000xf32, #tpu.memory_space<hbm>> -> memref<4000xf32, #tpu.memory_space<hbm>>
        tpu.enqueue_dma source(%arg11 : memref<4000xf32, #tpu.memory_space<vmem>>) target(%dma_start3A_64 : memref<4000xf32, #tpu.memory_space<hbm>>) target_semaphore(%run_scoped3A : memref<!tpu.dma_semaphore, #tpu.memory_space<semaphore_mem>>)
        %dma_wait3A_65 = tpu.memref_slice %arg5[%add3A_55] : memref<6400000xf32, #tpu.memory_space<hbm>> -> memref<4000xf32, #tpu.memory_space<hbm>>
        %dma_wait3A_66 = tpu.memref_slice %arg5[%add3A_55] : memref<6400000xf32, #tpu.memory_space<hbm>> -> memref<4000xf32, #tpu.memory_space<hbm>>
        tpu.wait_dma2 semaphore(%run_scoped3A : memref<!tpu.dma_semaphore, #tpu.memory_space<semaphore_mem>>) src(%arg11 : memref<4000xf32, #tpu.memory_space<vmem>>) dst(%dma_wait3A_66 : memref<4000xf32, #tpu.memory_space<hbm>>)
        tpu.yield
      }) : () -> ()
      %add3A_56 = arith.constant 2 : i32
      %add3A_57 = arith.addi %add3A_42, %add3A_56 : i32
      %lt3A_58 = arith.constant 50 : i32
      %lt3A_59 = arith.cmpi slt, %add3A_57, %lt3A_58 : i32
      %convert_element_type3A_60 = arith.extui %lt3A_59 : i1 to i32
      %cond3A_61 = arith.constant 0 : i32
      %cond3A_62 = arith.cmpi ne, %convert_element_type3A_60, %cond3A_61 : i32
      scf.if %cond3A_62 {
        %add3A_63 = arith.constant 2 : i32
        %add3A_64 = arith.addi %add3A_42, %add3A_63 : i32
        %mul3A_65 = arith.constant 4000 : i32
        %mul3A_66 = arith.muli %add3A_64, %mul3A_65 : i32
        %add3A_67 = arith.addi %mul3A_2, %mul3A_66 : i32
        %dma_start3A_68 = tpu.memref_slice %arg2[%add3A_67] : memref<6400000xi32, #tpu.memory_space<hbm>> -> memref<4000xi32, #tpu.memory_space<hbm>>
        %dma_start3A_69 = tpu.memref_slice %arg2[%add3A_67] : memref<6400000xi32, #tpu.memory_space<hbm>> -> memref<4000xi32, #tpu.memory_space<hbm>>
        tpu.enqueue_dma source(%dma_start3A_69 : memref<4000xi32, #tpu.memory_space<hbm>>) target(%arg9 : memref<4000xi32, #tpu.memory_space<vmem>>) target_semaphore(%arg13 : memref<!tpu.dma_semaphore, #tpu.memory_space<semaphore_mem>>)
        %dma_start3A_70 = tpu.memref_slice %arg3[%add3A_67] : memref<6400000xf32, #tpu.memory_space<hbm>> -> memref<4000xf32, #tpu.memory_space<hbm>>
        %dma_start3A_71 = tpu.memref_slice %arg3[%add3A_67] : memref<6400000xf32, #tpu.memory_space<hbm>> -> memref<4000xf32, #tpu.memory_space<hbm>>
        tpu.enqueue_dma source(%dma_start3A_71 : memref<4000xf32, #tpu.memory_space<hbm>>) target(%arg10 : memref<4000xf32, #tpu.memory_space<vmem>>) target_semaphore(%arg13 : memref<!tpu.dma_semaphore, #tpu.memory_space<semaphore_mem>>)
      } else {
      }
    }
    %scan3A_18 = arith.constant 25 : i32
    return
  }
}

#map = affine_map<(d0, d1) -> (0)>
module attributes {stable_mosaic.version = 14 : i64} {
  func.func @_segmax_body(%arg0: i32, %arg1: i32, %arg2: memref<6400000xi32, #tpu.memory_space<hbm>>, %arg3: memref<6400000xf32, #tpu.memory_space<hbm>>, %arg4: memref<3211264xf32, #tpu.memory_space<hbm>>, %arg5: memref<100352xf32, #tpu.memory_space<vmem>>, %arg6: memref<4000xi32, #tpu.memory_space<vmem>>, %arg7: memref<4000xf32, #tpu.memory_space<vmem>>, %arg8: memref<4000xi32, #tpu.memory_space<vmem>>, %arg9: memref<4000xf32, #tpu.memory_space<vmem>>, %arg10: memref<!tpu.dma_semaphore, #tpu.memory_space<semaphore_mem>>, %arg11: memref<!tpu.dma_semaphore, #tpu.memory_space<semaphore_mem>>) attributes {dimension_semantics = [#tpu.dimension_semantics<core_parallel>, #tpu.dimension_semantics<subcore_parallel>], iteration_bounds = array<i64: 2, 16>, scalar_prefetch = 0 : i64, scratch_operands = 7 : i64, tpu.core_type = #tpu.core_type<sc_vector_subcore>, window_params = [{transform_indices = #map}, {transform_indices = #map}, {transform_indices = #map}]} {
    %mul3A = arith.constant 2 : i32
    %mul3A_0 = arith.muli %arg1, %mul3A : i32
    %add3A = arith.addi %mul3A_0, %arg0 : i32
    %mul3A_1 = arith.constant 200000 : i32
    %mul3A_2 = arith.muli %add3A, %mul3A_1 : i32
    %broadcast_in_dim3A = arith.constant 0xFF800000 : f32
    %broadcast_in_dim3A_3 = vector.broadcast %broadcast_in_dim3A : f32 to vector<16xf32>
    %scan3A = arith.constant 0 : i32
    %scan3A_4 = arith.constant 0 : i32
    %scan3A_5 = arith.constant 6272 : i32
    %scan3A_6 = arith.addi %scan3A_4, %scan3A_5 : i32
    %scan3A_7 = arith.constant 1 : i32
    scf.for %scan3A_28 = %scan3A_4 to %scan3A_6 step %scan3A_7  : i32 {
      %mul3A_29 = arith.constant 16 : i32
      %mul3A_30 = arith.muli %scan3A_28, %mul3A_29 : i32
      %swap3A = arith.index_cast %mul3A_30 : i32 to index
      %swap3A_31 = tpu.vector_load %arg5[%swap3A] {strides = array<i32>} : memref<100352xf32, #tpu.memory_space<vmem>>, vector<16xf32>,
      tpu.vector_store %arg5[%swap3A], %broadcast_in_dim3A_3 {strides = array<i32>} : memref<100352xf32, #tpu.memory_space<vmem>>, vector<16xf32>,
    }
    %scan3A_8 = arith.constant 6272 : i32
    %add3A_9 = arith.constant 0 : i32
    %add3A_10 = arith.addi %mul3A_2, %add3A_9 : i32
    %dma_start3A = tpu.memref_slice %arg2[%add3A_10] : memref<6400000xi32, #tpu.memory_space<hbm>> -> memref<4000xi32, #tpu.memory_space<hbm>>
    %dma_start3A_11 = tpu.memref_slice %arg2[%add3A_10] : memref<6400000xi32, #tpu.memory_space<hbm>> -> memref<4000xi32, #tpu.memory_space<hbm>>
    tpu.enqueue_dma source(%dma_start3A_11 : memref<4000xi32, #tpu.memory_space<hbm>>) target(%arg6 : memref<4000xi32, #tpu.memory_space<vmem>>) target_semaphore(%arg10 : memref<!tpu.dma_semaphore, #tpu.memory_space<semaphore_mem>>)
    %dma_start3A_12 = tpu.memref_slice %arg3[%add3A_10] : memref<6400000xf32, #tpu.memory_space<hbm>> -> memref<4000xf32, #tpu.memory_space<hbm>>
    %dma_start3A_13 = tpu.memref_slice %arg3[%add3A_10] : memref<6400000xf32, #tpu.memory_space<hbm>> -> memref<4000xf32, #tpu.memory_space<hbm>>
    tpu.enqueue_dma source(%dma_start3A_13 : memref<4000xf32, #tpu.memory_space<hbm>>) target(%arg7 : memref<4000xf32, #tpu.memory_space<vmem>>) target_semaphore(%arg10 : memref<!tpu.dma_semaphore, #tpu.memory_space<semaphore_mem>>)
    %add3A_14 = arith.constant 4000 : i32
    %add3A_15 = arith.addi %mul3A_2, %add3A_14 : i32
    %dma_start3A_16 = tpu.memref_slice %arg2[%add3A_15] : memref<6400000xi32, #tpu.memory_space<hbm>> -> memref<4000xi32, #tpu.memory_space<hbm>>
    %dma_start3A_17 = tpu.memref_slice %arg2[%add3A_15] : memref<6400000xi32, #tpu.memory_space<hbm>> -> memref<4000xi32, #tpu.memory_space<hbm>>
    tpu.enqueue_dma source(%dma_start3A_17 : memref<4000xi32, #tpu.memory_space<hbm>>) target(%arg8 : memref<4000xi32, #tpu.memory_space<vmem>>) target_semaphore(%arg11 : memref<!tpu.dma_semaphore, #tpu.memory_space<semaphore_mem>>)
    %dma_start3A_18 = tpu.memref_slice %arg3[%add3A_15] : memref<6400000xf32, #tpu.memory_space<hbm>> -> memref<4000xf32, #tpu.memory_space<hbm>>
    %dma_start3A_19 = tpu.memref_slice %arg3[%add3A_15] : memref<6400000xf32, #tpu.memory_space<hbm>> -> memref<4000xf32, #tpu.memory_space<hbm>>
    tpu.enqueue_dma source(%dma_start3A_19 : memref<4000xf32, #tpu.memory_space<hbm>>) target(%arg9 : memref<4000xf32, #tpu.memory_space<vmem>>) target_semaphore(%arg11 : memref<!tpu.dma_semaphore, #tpu.memory_space<semaphore_mem>>)
    %scan3A_20 = arith.constant 0 : i32
    %scan3A_21 = arith.constant 0 : i32
    %scan3A_22 = arith.constant 25 : i32
    %scan3A_23 = arith.addi %scan3A_21, %scan3A_22 : i32
    %scan3A_24 = arith.constant 1 : i32
    scf.for %scan3A_28 = %scan3A_21 to %scan3A_23 step %scan3A_24  : i32 {
      %mul3A_29 = arith.constant 2 : i32
      %mul3A_30 = arith.muli %scan3A_28, %mul3A_29 : i32
      %add3A_31 = arith.constant 0 : i32
      %add3A_32 = arith.addi %mul3A_30, %add3A_31 : i32
      %mul3A_33 = arith.constant 4000 : i32
      %mul3A_34 = arith.muli %add3A_32, %mul3A_33 : i32
      %add3A_35 = arith.addi %mul3A_2, %mul3A_34 : i32
      %dma_wait3A = tpu.memref_slice %arg2[%add3A_35] : memref<6400000xi32, #tpu.memory_space<hbm>> -> memref<4000xi32, #tpu.memory_space<hbm>>
      %dma_wait3A_36 = tpu.memref_slice %arg2[%add3A_35] : memref<6400000xi32, #tpu.memory_space<hbm>> -> memref<4000xi32, #tpu.memory_space<hbm>>
      tpu.wait_dma2 semaphore(%arg10 : memref<!tpu.dma_semaphore, #tpu.memory_space<semaphore_mem>>) src(%dma_wait3A_36 : memref<4000xi32, #tpu.memory_space<hbm>>) dst(%arg6 : memref<4000xi32, #tpu.memory_space<vmem>>)
      %dma_wait3A_37 = tpu.memref_slice %arg3[%add3A_35] : memref<6400000xf32, #tpu.memory_space<hbm>> -> memref<4000xf32, #tpu.memory_space<hbm>>
      %dma_wait3A_38 = tpu.memref_slice %arg3[%add3A_35] : memref<6400000xf32, #tpu.memory_space<hbm>> -> memref<4000xf32, #tpu.memory_space<hbm>>
      tpu.wait_dma2 semaphore(%arg10 : memref<!tpu.dma_semaphore, #tpu.memory_space<semaphore_mem>>) src(%dma_wait3A_38 : memref<4000xf32, #tpu.memory_space<hbm>>) dst(%arg7 : memref<4000xf32, #tpu.memory_space<vmem>>)
      %scan3A_39 = arith.constant 0 : i32
      %scan3A_40 = arith.constant 0 : i32
      %scan3A_41 = arith.constant 250 : i32
      %scan3A_42 = arith.addi %scan3A_40, %scan3A_41 : i32
      %scan3A_43 = arith.constant 1 : i32
      scf.for %scan3A_73 = %scan3A_40 to %scan3A_42 step %scan3A_43  : i32 {
        %mul3A_74 = arith.constant 16 : i32
        %mul3A_75 = arith.muli %scan3A_73, %mul3A_74 : i32
        %get3A = arith.index_cast %mul3A_75 : i32 to index
        %get3A_76 = tpu.vector_load %arg6[%get3A] {strides = array<i32>} : memref<4000xi32, #tpu.memory_space<vmem>>, vector<16xi32>,
        %get3A_77 = arith.index_cast %mul3A_75 : i32 to index
        %get3A_78 = tpu.vector_load %arg7[%get3A_77] {strides = array<i32>} : memref<4000xf32, #tpu.memory_space<vmem>>, vector<16xf32>,
        %masked_sort3A = arith.constant dense<true> : vector<16xi1>
        %masked_sort3A_79, %masked_sort3A_80, %masked_sort3A_81 = tpu.sort %get3A_78, %get3A_76 masked %masked_sort3A : (vector<16xf32>, vector<16xi32>, vector<16xi1>) -> (vector<16xi1>, vector<16xf32>, vector<16xi32>)
        %gather3A = tpu.vector_load_idx %arg5[%masked_sort3A_81] : memref<100352xf32, #tpu.memory_space<vmem>>[vector<16xi32>], vector<16xf32>,
        %max3A = arith.maximumf %gather3A, %masked_sort3A_80 : vector<16xf32>
        tpu.vector_store_idx %arg5[%masked_sort3A_81], %max3A : memref<100352xf32, #tpu.memory_space<vmem>>[vector<16xi32>], vector<16xf32>,
      }
      %scan3A_44 = arith.constant 250 : i32
      %add3A_45 = arith.constant 2 : i32
      %add3A_46 = arith.addi %add3A_32, %add3A_45 : i32
      %lt3A = arith.constant 50 : i32
      %lt3A_47 = arith.cmpi slt, %add3A_46, %lt3A : i32
      %convert_element_type3A = arith.extui %lt3A_47 : i1 to i32
      %cond3A = arith.constant 0 : i32
      %cond3A_48 = arith.cmpi ne, %convert_element_type3A, %cond3A : i32
      scf.if %cond3A_48 {
        %add3A_73 = arith.constant 2 : i32
        %add3A_74 = arith.addi %add3A_32, %add3A_73 : i32
        %mul3A_75 = arith.constant 4000 : i32
        %mul3A_76 = arith.muli %add3A_74, %mul3A_75 : i32
        %add3A_77 = arith.addi %mul3A_2, %mul3A_76 : i32
        %dma_start3A_78 = tpu.memref_slice %arg2[%add3A_77] : memref<6400000xi32, #tpu.memory_space<hbm>> -> memref<4000xi32, #tpu.memory_space<hbm>>
        %dma_start3A_79 = tpu.memref_slice %arg2[%add3A_77] : memref<6400000xi32, #tpu.memory_space<hbm>> -> memref<4000xi32, #tpu.memory_space<hbm>>
        tpu.enqueue_dma source(%dma_start3A_79 : memref<4000xi32, #tpu.memory_space<hbm>>) target(%arg6 : memref<4000xi32, #tpu.memory_space<vmem>>) target_semaphore(%arg10 : memref<!tpu.dma_semaphore, #tpu.memory_space<semaphore_mem>>)
        %dma_start3A_80 = tpu.memref_slice %arg3[%add3A_77] : memref<6400000xf32, #tpu.memory_space<hbm>> -> memref<4000xf32, #tpu.memory_space<hbm>>
        %dma_start3A_81 = tpu.memref_slice %arg3[%add3A_77] : memref<6400000xf32, #tpu.memory_space<hbm>> -> memref<4000xf32, #tpu.memory_space<hbm>>
        tpu.enqueue_dma source(%dma_start3A_81 : memref<4000xf32, #tpu.memory_space<hbm>>) target(%arg7 : memref<4000xf32, #tpu.memory_space<vmem>>) target_semaphore(%arg10 : memref<!tpu.dma_semaphore, #tpu.memory_space<semaphore_mem>>)
      } else {
      }
      %mul3A_49 = arith.constant 2 : i32
      %mul3A_50 = arith.muli %scan3A_28, %mul3A_49 : i32
      %add3A_51 = arith.constant 1 : i32
      %add3A_52 = arith.addi %mul3A_50, %add3A_51 : i32
      %mul3A_53 = arith.constant 4000 : i32
      %mul3A_54 = arith.muli %add3A_52, %mul3A_53 : i32
      %add3A_55 = arith.addi %mul3A_2, %mul3A_54 : i32
      %dma_wait3A_56 = tpu.memref_slice %arg2[%add3A_55] : memref<6400000xi32, #tpu.memory_space<hbm>> -> memref<4000xi32, #tpu.memory_space<hbm>>
      %dma_wait3A_57 = tpu.memref_slice %arg2[%add3A_55] : memref<6400000xi32, #tpu.memory_space<hbm>> -> memref<4000xi32, #tpu.memory_space<hbm>>
      tpu.wait_dma2 semaphore(%arg11 : memref<!tpu.dma_semaphore, #tpu.memory_space<semaphore_mem>>) src(%dma_wait3A_57 : memref<4000xi32, #tpu.memory_space<hbm>>) dst(%arg8 : memref<4000xi32, #tpu.memory_space<vmem>>)
      %dma_wait3A_58 = tpu.memref_slice %arg3[%add3A_55] : memref<6400000xf32, #tpu.memory_space<hbm>> -> memref<4000xf32, #tpu.memory_space<hbm>>
      %dma_wait3A_59 = tpu.memref_slice %arg3[%add3A_55] : memref<6400000xf32, #tpu.memory_space<hbm>> -> memref<4000xf32, #tpu.memory_space<hbm>>
      tpu.wait_dma2 semaphore(%arg11 : memref<!tpu.dma_semaphore, #tpu.memory_space<semaphore_mem>>) src(%dma_wait3A_59 : memref<4000xf32, #tpu.memory_space<hbm>>) dst(%arg9 : memref<4000xf32, #tpu.memory_space<vmem>>)
      %scan3A_60 = arith.constant 0 : i32
      %scan3A_61 = arith.constant 0 : i32
      %scan3A_62 = arith.constant 250 : i32
      %scan3A_63 = arith.addi %scan3A_61, %scan3A_62 : i32
      %scan3A_64 = arith.constant 1 : i32
      scf.for %scan3A_73 = %scan3A_61 to %scan3A_63 step %scan3A_64  : i32 {
        %mul3A_74 = arith.constant 16 : i32
        %mul3A_75 = arith.muli %scan3A_73, %mul3A_74 : i32
        %get3A = arith.index_cast %mul3A_75 : i32 to index
        %get3A_76 = tpu.vector_load %arg8[%get3A] {strides = array<i32>} : memref<4000xi32, #tpu.memory_space<vmem>>, vector<16xi32>,
        %get3A_77 = arith.index_cast %mul3A_75 : i32 to index
        %get3A_78 = tpu.vector_load %arg9[%get3A_77] {strides = array<i32>} : memref<4000xf32, #tpu.memory_space<vmem>>, vector<16xf32>,
        %masked_sort3A = arith.constant dense<true> : vector<16xi1>
        %masked_sort3A_79, %masked_sort3A_80, %masked_sort3A_81 = tpu.sort %get3A_78, %get3A_76 masked %masked_sort3A : (vector<16xf32>, vector<16xi32>, vector<16xi1>) -> (vector<16xi1>, vector<16xf32>, vector<16xi32>)
        %gather3A = tpu.vector_load_idx %arg5[%masked_sort3A_81] : memref<100352xf32, #tpu.memory_space<vmem>>[vector<16xi32>], vector<16xf32>,
        %max3A = arith.maximumf %gather3A, %masked_sort3A_80 : vector<16xf32>
        tpu.vector_store_idx %arg5[%masked_sort3A_81], %max3A : memref<100352xf32, #tpu.memory_space<vmem>>[vector<16xi32>], vector<16xf32>,
      }
      %scan3A_65 = arith.constant 250 : i32
      %add3A_66 = arith.constant 2 : i32
      %add3A_67 = arith.addi %add3A_52, %add3A_66 : i32
      %lt3A_68 = arith.constant 50 : i32
      %lt3A_69 = arith.cmpi slt, %add3A_67, %lt3A_68 : i32
      %convert_element_type3A_70 = arith.extui %lt3A_69 : i1 to i32
      %cond3A_71 = arith.constant 0 : i32
      %cond3A_72 = arith.cmpi ne, %convert_element_type3A_70, %cond3A_71 : i32
      scf.if %cond3A_72 {
        %add3A_73 = arith.constant 2 : i32
        %add3A_74 = arith.addi %add3A_52, %add3A_73 : i32
        %mul3A_75 = arith.constant 4000 : i32
        %mul3A_76 = arith.muli %add3A_74, %mul3A_75 : i32
        %add3A_77 = arith.addi %mul3A_2, %mul3A_76 : i32
        %dma_start3A_78 = tpu.memref_slice %arg2[%add3A_77] : memref<6400000xi32, #tpu.memory_space<hbm>> -> memref<4000xi32, #tpu.memory_space<hbm>>
        %dma_start3A_79 = tpu.memref_slice %arg2[%add3A_77] : memref<6400000xi32, #tpu.memory_space<hbm>> -> memref<4000xi32, #tpu.memory_space<hbm>>
        tpu.enqueue_dma source(%dma_start3A_79 : memref<4000xi32, #tpu.memory_space<hbm>>) target(%arg8 : memref<4000xi32, #tpu.memory_space<vmem>>) target_semaphore(%arg11 : memref<!tpu.dma_semaphore, #tpu.memory_space<semaphore_mem>>)
        %dma_start3A_80 = tpu.memref_slice %arg3[%add3A_77] : memref<6400000xf32, #tpu.memory_space<hbm>> -> memref<4000xf32, #tpu.memory_space<hbm>>
        %dma_start3A_81 = tpu.memref_slice %arg3[%add3A_77] : memref<6400000xf32, #tpu.memory_space<hbm>> -> memref<4000xf32, #tpu.memory_space<hbm>>
        tpu.enqueue_dma source(%dma_start3A_81 : memref<4000xf32, #tpu.memory_space<hbm>>) target(%arg9 : memref<4000xf32, #tpu.memory_space<vmem>>) target_semaphore(%arg11 : memref<!tpu.dma_semaphore, #tpu.memory_space<semaphore_mem>>)
      } else {
      }
    }
    %scan3A_25 = arith.constant 25 : i32
    %mul3A_26 = arith.constant 100352 : i32
    %mul3A_27 = arith.muli %add3A, %mul3A_26 : i32
    "tpu.region"() ({
      %run_scoped3A = tpu.sem_alloc : memref<!tpu.dma_semaphore, #tpu.memory_space<semaphore_mem>>
      %dma_start3A_28 = tpu.memref_slice %arg4[%mul3A_27] : memref<3211264xf32, #tpu.memory_space<hbm>> -> memref<100352xf32, #tpu.memory_space<hbm>>
      %dma_start3A_29 = tpu.memref_slice %arg4[%mul3A_27] : memref<3211264xf32, #tpu.memory_space<hbm>> -> memref<100352xf32, #tpu.memory_space<hbm>>
      tpu.enqueue_dma source(%arg5 : memref<100352xf32, #tpu.memory_space<vmem>>) target(%dma_start3A_29 : memref<100352xf32, #tpu.memory_space<hbm>>) target_semaphore(%run_scoped3A : memref<!tpu.dma_semaphore, #tpu.memory_space<semaphore_mem>>)
      %dma_wait3A = tpu.memref_slice %arg4[%mul3A_27] : memref<3211264xf32, #tpu.memory_space<hbm>> -> memref<100352xf32, #tpu.memory_space<hbm>>
      %dma_wait3A_30 = tpu.memref_slice %arg4[%mul3A_27] : memref<3211264xf32, #tpu.memory_space<hbm>> -> memref<100352xf32, #tpu.memory_space<hbm>>
      tpu.wait_dma2 semaphore(%run_scoped3A : memref<!tpu.dma_semaphore, #tpu.memory_space<semaphore_mem>>) src(%arg5 : memref<100352xf32, #tpu.memory_space<vmem>>) dst(%dma_wait3A_30 : memref<100352xf32, #tpu.memory_space<hbm>>)
      tpu.yield
    }) : () -> ()
    return
  }
}

module attributes {stable_mosaic.version = 14 : i64} {
  func.func @_zstat_body(%arg0: i32, %arg1: memref<1x1xf32, #tpu.memory_space<smem>>, %arg2: memref<2000x128xf32, #tpu.memory_space<vmem>>, %arg3: memref<2000x128xf32, #tpu.memory_space<vmem>>, %arg4: memref<2000x128xf32, #tpu.memory_space<vmem>>, %arg5: memref<8x128xf32, #tpu.memory_space<vmem>>, %arg6: memref<8x128xf32, #tpu.memory_space<vmem>>) attributes {dimension_semantics = [#tpu.dimension_semantics<arbitrary>], iteration_bounds = array<i64: 25>, scalar_prefetch = 0 : i64, scratch_operands = 0 : i64, tpu.core_type = #tpu.core_type<tc>, window_params = [{transform_indices = @transform_0, window_bounds = array<i64: 1, 1>}, {transform_indices = @transform_1, window_bounds = array<i64: 2000, 128>}, {transform_indices = @transform_2, window_bounds = array<i64: 2000, 128>}, {transform_indices = @transform_3, window_bounds = array<i64: 2000, 128>}, {transform_indices = @transform_4, window_bounds = array<i64: 8, 128>}, {transform_indices = @transform_5, window_bounds = array<i64: 8, 128>}]} {
    %get3A = arith.constant 0 : index
    %get3A_0 = arith.constant 0 : index
    %get3A_1 = vector.load %arg2[%get3A, %get3A_0] : memref<2000x128xf32, #tpu.memory_space<vmem>>, vector<2000x128xf32>
    %get3A_2 = arith.constant 0 : index
    %get3A_3 = arith.constant 0 : index
    %get3A_4 = vector.load %arg3[%get3A_2, %get3A_3] : memref<2000x128xf32, #tpu.memory_space<vmem>>, vector<2000x128xf32>
    %add3A = arith.addf %get3A_1, %get3A_4 : vector<2000x128xf32>
    %get3A_5 = arith.constant 0 : index
    %get3A_6 = arith.constant 0 : index
    %get3A_7 = memref.load %arg1[%get3A_5, %get3A_6] : memref<1x1xf32, #tpu.memory_space<smem>>
    %div3A = vector.broadcast %get3A_7 : f32 to vector<2000x128xf32>
    %div3A_8 = arith.divf %add3A, %div3A : vector<2000x128xf32>
    %swap3A = arith.constant 0 : index
    %swap3A_9 = arith.constant 0 : index
    %swap3A_10 = vector.load %arg4[%swap3A, %swap3A_9] : memref<2000x128xf32, #tpu.memory_space<vmem>>, vector<2000x128xf32>
    tpu.vector_store %arg4[%swap3A, %swap3A_9], %div3A_8 {strides = array<i32>} : memref<2000x128xf32, #tpu.memory_space<vmem>>, vector<2000x128xf32>,
    %reduce_max3A = vector.shape_cast %div3A_8 : vector<2000x128xf32> to vector<1x2000x128xf32>
    %reduce_max3A_11 = arith.constant dense<0xFF800000> : vector<1xf32>
    %reduce_max3A_12 = vector.multi_reduction <maximumf>, %reduce_max3A, %reduce_max3A_11 [1, 2] : vector<1x2000x128xf32> to vector<1xf32>
    %reduce_max3A_13 = vector.shape_cast %reduce_max3A_12 : vector<1xf32> to vector<1x1x1xf32>
    %reduce_max3A_14 = vector.extract %reduce_max3A_13[0, 0, 0] : f32 from vector<1x1x1xf32>
    %broadcast_in_dim3A = vector.broadcast %reduce_max3A_14 : f32 to vector<8x128xf32>
    %swap3A_15 = arith.constant 0 : index
    %swap3A_16 = arith.constant 0 : index
    %swap3A_17 = vector.load %arg5[%swap3A_15, %swap3A_16] : memref<8x128xf32, #tpu.memory_space<vmem>>, vector<8x128xf32>
    tpu.vector_store %arg5[%swap3A_15, %swap3A_16], %broadcast_in_dim3A {strides = array<i32>} : memref<8x128xf32, #tpu.memory_space<vmem>>, vector<8x128xf32>,
    %sub3A = vector.broadcast %reduce_max3A_14 : f32 to vector<2000x128xf32>
    %sub3A_18 = arith.subf %div3A_8, %sub3A : vector<2000x128xf32>
    %exp3A = math.exp %sub3A_18 : vector<2000x128xf32>
    %reduce_sum3A = vector.shape_cast %exp3A : vector<2000x128xf32> to vector<1x2000x128xf32>
    %reduce_sum3A_19 = arith.constant dense<0.000000e+00> : vector<1xf32>
    %reduce_sum3A_20 = vector.multi_reduction <add>, %reduce_sum3A, %reduce_sum3A_19 [1, 2] : vector<1x2000x128xf32> to vector<1xf32>
    %reduce_sum3A_21 = vector.shape_cast %reduce_sum3A_20 : vector<1xf32> to vector<1x1x1xf32>
    %reduce_sum3A_22 = vector.extract %reduce_sum3A_21[0, 0, 0] : f32 from vector<1x1x1xf32>
    %broadcast_in_dim3A_23 = vector.broadcast %reduce_sum3A_22 : f32 to vector<8x128xf32>
    %swap3A_24 = arith.constant 0 : index
    %swap3A_25 = arith.constant 0 : index
    %swap3A_26 = vector.load %arg6[%swap3A_24, %swap3A_25] : memref<8x128xf32, #tpu.memory_space<vmem>>, vector<8x128xf32>
    tpu.vector_store %arg6[%swap3A_24, %swap3A_25], %broadcast_in_dim3A_23 {strides = array<i32>} : memref<8x128xf32, #tpu.memory_space<vmem>>, vector<8x128xf32>,
    return
  }
  func.func @transform_0(%arg0: i32) -> (i32, i32) {
    %c0_i32 = arith.constant 0 : i32
    %c0_i32_0 = arith.constant 0 : i32
    %c0_i32_1 = arith.constant 0 : i32
    return %c0_i32, %c0_i32_0 : i32, i32
  }
  func.func @transform_1(%arg0: i32) -> (i32, i32) {
    %c0_i32 = arith.constant 0 : i32
    %c0_i32_0 = arith.constant 0 : i32
    return %arg0, %c0_i32 : i32, i32
  }
  func.func @transform_2(%arg0: i32) -> (i32, i32) {
    %c0_i32 = arith.constant 0 : i32
    %c0_i32_0 = arith.constant 0 : i32
    return %arg0, %c0_i32 : i32, i32
  }
  func.func @transform_3(%arg0: i32) -> (i32, i32) {
    %c0_i32 = arith.constant 0 : i32
    %c0_i32_0 = arith.constant 0 : i32
    return %arg0, %c0_i32 : i32, i32
  }
  func.func @transform_4(%arg0: i32) -> (i32, i32) {
    %c0_i32 = arith.constant 0 : i32
    %c0_i32_0 = arith.constant 0 : i32
    return %arg0, %c0_i32 : i32, i32
  }
  func.func @transform_5(%arg0: i32) -> (i32, i32) {
    %c0_i32 = arith.constant 0 : i32
    %c0_i32_0 = arith.constant 0 : i32
    return %arg0, %c0_i32 : i32, i32
  }
}

module attributes {stable_mosaic.version = 14 : i64} {
  func.func @_mergemax_body(%arg0: i32, %arg1: memref<32x7168xf32, #tpu.memory_space<vmem>>, %arg2: memref<7168xf32, #tpu.memory_space<vmem>>) attributes {dimension_semantics = [#tpu.dimension_semantics<arbitrary>], iteration_bounds = array<i64: 14>, scalar_prefetch = 0 : i64, scratch_operands = 0 : i64, tpu.core_type = #tpu.core_type<tc>, window_params = [{transform_indices = @transform_0, window_bounds = array<i64: 32, 7168>}, {transform_indices = @transform_1, window_bounds = array<i64: 7168>}]} {
    %get3A = arith.constant 0 : index
    %get3A_0 = arith.constant 0 : index
    %get3A_1 = vector.load %arg1[%get3A, %get3A_0] : memref<32x7168xf32, #tpu.memory_space<vmem>>, vector<32x7168xf32>
    %reduce_max3A = arith.constant dense<0xFF800000> : vector<7168xf32>
    %reduce_max3A_2 = vector.multi_reduction <maximumf>, %get3A_1, %reduce_max3A [0] : vector<32x7168xf32> to vector<7168xf32>
    %swap3A = arith.constant 0 : index
    %swap3A_3 = vector.load %arg2[%swap3A] : memref<7168xf32, #tpu.memory_space<vmem>>, vector<7168xf32>
    tpu.vector_store %arg2[%swap3A], %reduce_max3A_2 {strides = array<i32>} : memref<7168xf32, #tpu.memory_space<vmem>>, vector<7168xf32>,
    return
  }
  func.func @transform_0(%arg0: i32) -> (i32, i32) {
    %c0_i32 = arith.constant 0 : i32
    %c0_i32_0 = arith.constant 0 : i32
    return %c0_i32, %arg0 : i32, i32
  }
  func.func @transform_1(%arg0: i32) -> i32 {
    %c0_i32 = arith.constant 0 : i32
    return %arg0 : i32
  }
}

module attributes {stable_mosaic.version = 14 : i64} {
  func.func @_norm_body(%arg0: i32, %arg1: memref<1x1xf32, #tpu.memory_space<smem>>, %arg2: memref<1x1xf32, #tpu.memory_space<smem>>, %arg3: memref<2000x128xf32, #tpu.memory_space<vmem>>, %arg4: memref<2000x128xf32, #tpu.memory_space<vmem>>) attributes {dimension_semantics = [#tpu.dimension_semantics<arbitrary>], iteration_bounds = array<i64: 25>, scalar_prefetch = 0 : i64, scratch_operands = 0 : i64, tpu.core_type = #tpu.core_type<tc>, window_params = [{transform_indices = @transform_0, window_bounds = array<i64: 1, 1>}, {transform_indices = @transform_1, window_bounds = array<i64: 1, 1>}, {transform_indices = @transform_2, window_bounds = array<i64: 2000, 128>}, {transform_indices = @transform_3, window_bounds = array<i64: 2000, 128>}]} {
    %get3A = arith.constant 0 : index
    %get3A_0 = arith.constant 0 : index
    %get3A_1 = vector.load %arg3[%get3A, %get3A_0] : memref<2000x128xf32, #tpu.memory_space<vmem>>, vector<2000x128xf32>
    %get3A_2 = arith.constant 0 : index
    %get3A_3 = arith.constant 0 : index
    %get3A_4 = memref.load %arg1[%get3A_2, %get3A_3] : memref<1x1xf32, #tpu.memory_space<smem>>
    %sub3A = vector.broadcast %get3A_4 : f32 to vector<2000x128xf32>
    %sub3A_5 = arith.subf %get3A_1, %sub3A : vector<2000x128xf32>
    %exp3A = math.exp %sub3A_5 : vector<2000x128xf32>
    %get3A_6 = arith.constant 0 : index
    %get3A_7 = arith.constant 0 : index
    %get3A_8 = memref.load %arg2[%get3A_6, %get3A_7] : memref<1x1xf32, #tpu.memory_space<smem>>
    %div3A = vector.broadcast %get3A_8 : f32 to vector<2000x128xf32>
    %div3A_9 = arith.divf %exp3A, %div3A : vector<2000x128xf32>
    %swap3A = arith.constant 0 : index
    %swap3A_10 = arith.constant 0 : index
    %swap3A_11 = vector.load %arg4[%swap3A, %swap3A_10] : memref<2000x128xf32, #tpu.memory_space<vmem>>, vector<2000x128xf32>
    tpu.vector_store %arg4[%swap3A, %swap3A_10], %div3A_9 {strides = array<i32>} : memref<2000x128xf32, #tpu.memory_space<vmem>>, vector<2000x128xf32>,
    return
  }
  func.func @transform_0(%arg0: i32) -> (i32, i32) {
    %c0_i32 = arith.constant 0 : i32
    %c0_i32_0 = arith.constant 0 : i32
    %c0_i32_1 = arith.constant 0 : i32
    return %c0_i32, %c0_i32_0 : i32, i32
  }
  func.func @transform_1(%arg0: i32) -> (i32, i32) {
    %c0_i32 = arith.constant 0 : i32
    %c0_i32_0 = arith.constant 0 : i32
    %c0_i32_1 = arith.constant 0 : i32
    return %c0_i32, %c0_i32_0 : i32, i32
  }
  func.func @transform_2(%arg0: i32) -> (i32, i32) {
    %c0_i32 = arith.constant 0 : i32
    %c0_i32_0 = arith.constant 0 : i32
    return %arg0, %c0_i32 : i32, i32
  }
  func.func @transform_3(%arg0: i32) -> (i32, i32) {
    %c0_i32 = arith.constant 0 : i32
    %c0_i32_0 = arith.constant 0 : i32
    return %arg0, %c0_i32 : i32, i32
  }
}

</mosaic_0001>

<sc_bundles>
// kernel: kernel.10.cloned.1.call-start
scs
__scs_entry_jumppad:
0x0: {  	(pc) =	sbr.rel $0x88, $3  }
0x1: {  	(tag) =	ssettag $0x0;
	lr =	simm.s32 $0x1  }
0x2: {  	[smem:$0x3F9E] =	sst lr;
	_ =	strace $0xD0000000  }
0x3: {  	_ = 	snop  }
0x4: {  	_ = 	snop  }
0x5: {  	_ = 	snop  }
0x6: {  	_ = 	snop  }
0x7: {  	_ = 	snop  }
__scs_overlays_trampoline_lowered:
0x8: {  	[smem:$0x3FAD] =	sst s0  }
0x9: {  	[smem:$0x3FAE] =	sst s1  }
0xa: {  	[smem:$0x3FAF] =	sst s2  }
0xb: {  	[smem:$0x3FB0] =	sst s3  }
0xc: {  	[smem:$0x3FB1] =	sst s4  }
0xd: {  	[smem:$0x3FB2] =	sst s5  }
0xe: {  	[smem:$0x3FB3] =	sst s6  }
0xf: {  	[smem:$0x3FB4] =	sst s7  }
0x10: {  	[smem:$0x3FB5] =	sst s8  }
0x11: {  	[smem:$0x3FB6] =	sst s9;
	s0 =	simm.s32 @!p0 $0x0  }
0x12: {  	s1 =	sld [smem:$0x3F9C];
	s0 =	simm.s32 @p0 $0x1  }
0x13: {  	[smem:$0x3FB7] =	sst s0;
	s0 =	simm.s32 @!p1 $0x0  }
0x14: {  	s2 =	sld [smem:$0x3F9B];
	s0 =	simm.s32 @p1 $0x1  }
0x15: {  	[smem:$0x3FB8] =	sst s0;
	s0 =	simm.s32 @!p2 $0x0  }
0x16: {  	s3 =	sld [smem:$0x3FDB];
	s0 =	simm.s32 @p2 $0x1  }
0x17: {  	s4 =	simm.s32 $0x1BF5;
	[smem:$0x3FBA] =	sst s0  }
0x18: {  	s0 =	sld [smem:$0x3F9D];
	_ =	swait.ge [sflag:s4], $0x0  }
0x19: {  	s7 =	sld [smem:$0x3F9E]  }
0x1a: {  	s8 =	sadd.s32 $0xFFFFE003, lr  }
0x1b: {  	s9 =	sadd.s32 $0xFFFFFEF7, lr;
	s5 =	simm.s32 $0xFFFFFFFF;
	p2 =	slt.u32 s8, $0xFFFFF086  }
0x1c: {  	p1 =	slt.u32 s9, $0xF7A;
	s5 =	simm.s32 @!p2 $0x0  }
0x1d: {  	s5 =	simm.s32 @p1 $0x1;
	p0 =	seq.s32 s7, s2  }
0x1e: {  	s7 =	smul.u32 @!p0 $0xF7A, s2;
	p2 =	seq.s32 @!p0 s5, $0x0  }
0x1f: {  	s9 =	smul.u32 $0xF7A, s1;
	s8 =	simm.s32 @!p0 $0x1BF5;
	p2 =	por !p2, p0  }
0x20: {  	[sflag:s8] =	ssyncset.s32 @!p0 $0xFFFFF086;
	s6 =	sadd.s32 @!p0 s3, s7;
	s7 =	simm.s32 @!p0 $0x108  }
0x21: {  	s3 =	sadd.s32 s3, s9;
	s6 =	sadd.s32 @!p0 $0x88, s6;
	s7 =	simm.s32 @p2 $0x1082  }
0x22: {  	[simem:s7], [sflag:s8] =	dma.local @!p0 [hbm:s6], $0xF7A  }
0x23: {  	s9 =	sor.u32 $0xD0000000, s2;
	s6 =	simm.s32 $0x108;
	_ =	swait.ge @!p0 [sflag:s8], $0x0  }
0x24: {  	s3 =	sadd.s32 $0x88, s3;
	s6 =	simm.s32 @!p1 $0x1082;
	[sflag:s4] =	ssyncset.s32 $0xFFFFF086  }
0x25: {  	[simem:s6], [sflag:s4] =	dma.local [hbm:s3], $0xF7A  }
0x26: {  	[smem:$0x3F9E] =	sst s1;
	(tag) =	ssettag s2;
	_ =	strace s9  }
0x27: {  	s1 =	sld [smem:$0x3FAE]  }
0x28: {  	s2 =	sld [smem:$0x3FAF]  }
0x29: {  	s4 =	sld [smem:$0x3FB1]  }
0x2a: {  	p0 =	seq.s32 s5, $0x0;
	s5 =	sld [smem:$0x3FB2]  }
0x2b: {  	s6 =	sld [smem:$0x3FB3]  }
0x2c: {  	s7 =	sld [smem:$0x3FB4]  }
0x2d: {  	s3 =	simm.s32 $0x108;
	s8 =	sld [smem:$0x3FB5]  }
0x2e: {  	s3 =	simm.s32 @!p0 $0x1082;
	s9 =	sld [smem:$0x3FB6]  }
0x2f: {  	lr =	sadd.s32 s0, s3;
	s0 =	sld [smem:$0x3FAD]  }
0x30: {  	s3 =	sld [smem:$0x3FB0]  }
0x31: {  	[smem:$0x3FB9] =	sst s10  }
0x32: {  	s10 =	sld [smem:$0x3FB7];
	_ =	sdelay $0x3  }
0x33: {  	p0 =	seq.s32 s10, $0x1;
	s10 =	sld [smem:$0x3FB9];
	_ =	sdelay $0x3  }
0x34: {  	[smem:$0x3FB9] =	sst s10  }
0x35: {  	s10 =	sld [smem:$0x3FB8];
	_ =	sdelay $0x3  }
0x36: {  	p1 =	seq.s32 s10, $0x1;
	s10 =	sld [smem:$0x3FB9];
	_ =	sdelay $0x3  }
0x37: {  	[smem:$0x3FB9] =	sst s10  }
0x38: {  	s10 =	sld [smem:$0x3FBA]  }
0x39: {  	_ = 	snop;
	(pc) =	sbr.ind lr, $3  }
0x3a: {  	_ = 	snop  }
0x3b: {  	_ = 	snop  }
0x3c: {  	p2 =	seq.s32 s10, $0x1;
	s10 =	sld [smem:$0x3FB9]  }
0x3d: {  	_ =	shalt  }
0x3e: {  	_ =	shalt  }
0x3f: {  	_ =	shalt  }
0x40: {  	_ =	shalt  }
0x41: {  	_ =	shalt  }
0x42: {  	_ =	shalt  }
0x43: {  	_ =	shalt  }
0x44: {  	_ =	shalt  }
0x45: {  	_ =	shalt  }
0x46: {  	_ =	shalt  }
0x47: {  	_ =	shalt  }
0x48: {  	_ =	shalt  }
0x49: {  	_ =	shalt  }
0x4a: {  	_ =	shalt  }
0x4b: {  	_ =	shalt  }
0x4c: {  	_ =	shalt  }
0x4d: {  	_ =	shalt  }
0x4e: {  	_ =	shalt  }
0x4f: {  	_ =	shalt  }
0x50: {  	_ =	shalt  }
0x51: {  	_ =	shalt  }
0x52: {  	_ =	shalt  }
0x53: {  	_ =	shalt  }
0x54: {  	_ =	shalt  }
0x55: {  	_ =	shalt  }
0x56: {  	_ =	shalt  }
0x57: {  	_ =	shalt  }
0x58: {  	_ =	shalt  }
0x59: {  	_ =	shalt  }
0x5a: {  	_ =	shalt  }
0x5b: {  	_ =	shalt  }
0x5c: {  	_ =	shalt  }
0x5d: {  	_ =	shalt  }
0x5e: {  	_ =	shalt  }
0x5f: {  	_ =	shalt  }
0x60: {  	_ =	shalt  }
0x61: {  	_ =	shalt  }
0x62: {  	_ =	shalt  }
0x63: {  	_ =	shalt  }
0x64: {  	_ =	shalt  }
0x65: {  	_ =	shalt  }
0x66: {  	_ =	shalt  }
0x67: {  	_ =	shalt  }
0x68: {  	_ =	shalt  }
0x69: {  	_ =	shalt  }
0x6a: {  	_ =	shalt  }
0x6b: {  	_ =	shalt  }
0x6c: {  	_ =	shalt  }
0x6d: {  	_ =	shalt  }
0x6e: {  	_ =	shalt  }
0x6f: {  	_ =	shalt  }
0x70: {  	_ =	shalt  }
0x71: {  	_ =	shalt  }
0x72: {  	_ =	shalt  }
0x73: {  	_ =	shalt  }
0x74: {  	_ =	shalt  }
0x75: {  	_ =	shalt  }
0x76: {  	_ =	shalt  }
0x77: {  	_ =	shalt  }
0x78: {  	_ =	shalt  }
0x79: {  	_ =	shalt  }
0x7a: {  	_ =	shalt  }
0x7b: {  	_ =	shalt  }
0x7c: {  	_ =	shalt  }
0x7d: {  	_ =	shalt  }
0x7e: {  	_ =	shalt  }
0x7f: {  	_ =	shalt  }
0x80: {  	_ =	shalt  }
0x81: {  	_ =	shalt  }
0x82: {  	_ =	shalt  }
0x83: {  	_ =	shalt  }
0x84: {  	_ =	shalt  }
0x85: {  	_ =	shalt  }
0x86: {  	_ =	shalt  }
0x87: {  	_ =	shalt  }
.Lfunc_end0:
.L_simem_size_0:
called_computation.1_lowered:
.L_overlay_start_0:
0x88: {  	s2 =	sld [smem:$0x3FD9]  }
0x89: {  	s3 =	sld [smem:$0x3FFE];
	_ =	sdelay $0x1  }
0x8a: {  	s1 =	srdreg.scid  }
0x8b: {  	s0 =	sand.u32 $0x1, s1  }
0x8c: {  	s14 =	sshll.u32 s0, $0xA;
	s2 =	sadd.s32 s3, s2  }
0x8d: {  	s2 =	sadd.s32 s2, s14  }
0x8e: {  	[smem:$0x3FC5] =	sst s2  }
0x8f: {  	_ = 	snop  }
0x90: {  	s2 =	sld [smem:$0x3FD0];
	_ =	sdelay $0x2  }
0x91: {  	s15 =	simm.s32 $0xA;
	s4 =	simm.s32 $0x10  }
0x92: {  	[smem:s4], [sflag:s15] =	dma.local [hbm:s2], $0x1  }
0x93: {  	_ =	swait.eq [sflag:s15], $0x1  }
0x94: {  	[sflag:s15] =	ssyncset.done $0x0  }
0x95: {  	[sflag:s15] =	ssyncadd.s32 $0xFFFFFFFF  }
0x96: {  	s16 =	sld [smem:$0x11];
	(tm) =	ssettm $0x1  }
0x97: {  	s17 =	sld [smem:$0x3FFB];
	_ =	sdelay $0x3  }
0x98: {  	_ =	strace s17  }
0x99: {  	s3 =	sld [smem:$0x3FFC];
	_ =	sdelay $0x3  }
0x9a: {  	_ =	strace s3  }
0x9b: {  	s3 =	sld [smem:$0x3FFD];
	_ =	sdelay $0x3  }
0x9c: {  	_ =	strace s3  }
0x9d: {  	_ =	strace $0x8FFFFFFF  }
0x9e: {  	s18 =	sld [smem:$0x3FDB];
	_ =	sdelay $0x1  }
0x9f: {  	s19 =	simm.s32 $_scs_section_size  }
0xa0: {  	s5 =	simm.s32 $_size__tile_overlayer_lowered;
	s6 =	simm.s32 $_tile_overlayer_lowered  }
0xa1: {  	s22 =	simm.s32 $0x1BFF;
	s21 =	sshll.u32 s6, $0x1;
	s3 =	sadd.s32 s19, s18  }
0xa2: {  	s7 =	simm.s32 $0x0;
	s20 =	sshll.u32 s5, $0x1;
	s5 =	sadd.s32 s21, s3  }
0xa3: {  	[timem:s7], [sflag:s22] =	dma.local [hbm:s5], s20  }
0xa4: {  	_ =	swait.ge [sflag:s22], s20  }
0xa5: {  	s4 =	ssub.s32 $0x0, s20;
	[sflag:s22] =	ssyncset.done $0x0  }
0xa6: {  	[sflag:s22] =	ssyncadd.s32 s4;
	_ =	sdelay $0x1  }
0xa7: {  	s23 =	simm.s32 $0x1B8B  }
0xa8: {  	_ =	swait.ge [sflag:s23], $0x1  }
0xa9: {  	[sflag:s23] =	ssyncset.done $0x0  }
0xaa: {  	s25 =	simm.s32 $0x1B8E;
	s24 =	sld [smem:$0x3FFE];
	[sflag:s23] =	ssyncadd.s32 $0xFFFFFFFF  }
0xab: {  	s26 =	simm.s32 $execute0_lowered;
	[smem:$0x3FD2] =	sst s25  }
0xac: {  	s5 =	sshll.u32 s26, $0x1;
	_ =	strace $0x80000049;
	[dreg:$0x1] =	wrdreg $0xFFFFFFFF  }
0xad: {  	s28 =	simm.s32 $_size_execute0_lowered;
	s3 =	sadd.s32 s3, s5;
	[dreg:$0x0] =	wrdreg $0x0  }
0xae: {  	s5 =	sshll.u32 s28, $0x1;
	[dreg:$0x2] =	wrdreg s3  }
0xaf: {  	[dreg:$0x3] =	wrdreg s5  }
0xb0: {  	[dreg:$0x4] =	wrdreg $0xC0  }
0xb1: {  	_ =	task [dreg:s7], $0x5FFFF  }
0xb2: {  	[dreg:$0x1] =	wrdreg $0xFFFFFFFF  }
0xb3: {  	[dreg:$0x0] =	wrdreg $0x60  }
0xb4: {  	[dreg:$0x2] =	wrdreg s24  }
0xb5: {  	[dreg:$0x3] =	wrdreg s16  }
0xb6: {  	[dreg:$0x4] =	wrdreg $0x9  }
0xb7: {  	_ =	task.clear_ibuf [dreg:s7], $0x5FFFF;
	_ =	strace $0x90000049  }
0xb8: {  	s29 =	simm.s32 $0x9;
	_ =	strace $0x8000004B  }
0xb9: {  	_ =	swait.ge [sflag:s29], $0x1  }
0xba: {  	[sflag:s29] =	ssyncadd.s32 $0xFFFFFFFF  }
0xbb: {  	_ =	strace $0x9000004B  }
0xbc: {  	_ =	sfence  }
0xbd: {  	s30 =	sld [smem:$0x0];
	_ =	sdelay $0x2  }
0xbe: {  	s31 =	sshll.u32 s1, $0xD;
	s1 =	sshrl.u32 s1, $0x2  }
0xbf: {  	s3 =	sand.u32 $0x4000, s31;
	s1 =	sadd.s32 s1, s30  }
0xc0: {  	s0 =	sor.u32 s3, s0;
	s1 =	sshll.u32 s1, $0x11  }
0xc1: {  	s0 =	sor.u32 s1, s0  }
0xc2: {  	s0 =	sadd.s32 $0x8F2B, s0  }
0xc3: {  	[sflag:s0] =	ssyncadd.remote.s32 $0x1  }
0xc4: {  	_ =	sfence.sel $0xFFFF  }
0xc5: {  	[dreg:$0x0] =	wrdreg $0xFFFFFFFF;
	(pc) =	sbr.abs _section_cstart, $3  }
0xc6: {  	[dreg:$0x1] =	wrdreg $0xFFFFFFFF  }
0xc7: {  	_ =	task.clear_ibuf [dreg:s7], $0x2FFFF;
	_ =	strace $0x9FFFFFFF  }
0xc8: {  	(tm) =	ssettm $0x7FFFFFFF  }
0xc9: {  	_ =	shalt  }
tec
execute0_lowered:
.L_overlay_start_1:
0x0: {  	(tag) =	ssettag $0x1  }
0x1: {  	s0 =	rddreg [dreg:$0x0]  }
0x2: {  	s2 =	rddreg [dreg:$0x1]  }
0x3: {  	s4 =	srdreg.scid;
	s1 =	stileid.u32  }
0x4: {  	s3 =	simm.s32 $0x0;
	s16 =	simm.s32 $0x3;
	s17 =	simm.s32 $0x18800  }
0x5: {  	s18 =	simm.s32 $0x19800;
	s19 =	simm.s32 $0x1A800;
	s20 =	simm.s32 $0x1B800  }
0x6: {  	s21 =	simm.s32 $0x1;
	s22 =	simm.s32 $0x1C800;
	s23 =	simm.s32 $0x2  }
0x7: {  	s24 =	simm.s32 $0x0;
	s8 =	sand.u32 $0x1, s4;
	s30 =	sshll.u32 s1, $0x1  }
0x8: {  	[smem:$0x7FF] =	sst s3;
	s4 =	sadd.s32 $0x200, s0;
	s5 =	sor.u32 s8, s30  }
0x9: {  	s6 =	sadd.s32 $0xC3800, s0;
	s31 =	ssub.s32 $0x2, s8;
	s5 =	smul.u32 $0x30D40, s5  }
.Ltmp0:
0xa: {  	s7 =	sadd.s32 $0x186E00, s0;
	s9 =	sshrl.u32 s31, $0x1;
	(pc) =	sbr.rel .LBB2_1-.Ltmp0, $4  }
0xb: {  	_ =	strace $0x8000004A;
	s0 =	ssub.s32 s31, s9;
	s10 =	sshrl.u32 s5, $0x3  }
0xc: {  	s8 =	sadd.s32 $0xFA0, s5;
	s13 =	sadd.s32 $0x1F40, s5;
	s14 =	sadd.s32 $0x2EE0, s5  }
0xd: {  	s15 =	smax.u32 s0, $0x1;
	s9 =	sadd.s32 s4, s10;
	s12 =	sshrl.u32 s8, $0x3  }
0xe: {  	v0 =	vimm.f32 $0.0e+00;
	s10 =	sadd.s32 s6, s10;
	s11 =	sadd.s32 s4, s12;
	s12 =	sadd.s32 s6, s12  }
.LBB2_12:
0xf: {  	s24 =	sadd.s32 $0x1, s24  }
0x10: {  	p0 =	sne.s32 s24, s15  }
.Ltmp1:
0x11: {  	_ = 	snop;
	(pc) =	sbr.rel @!p0 .LBB2_13-.Ltmp1, $1  }
0x12: {  	_ =	sdelay $0x3  }
.LBB2_1:
0x13: {  	[tilespmem:s3], [sflag:$0x3] =	stream.linear.gather [hbm4b:s7+s3], $0x18800, $0x38;
	[tilespmem:$0x1D800] =	vst v63  }
0x14: {  	_ =	swait.ge [sflag:s16], $0x18800  }
0x15: {  	[sflag:s16] =	ssyncset.done $0x0  }
0x16: {  	[sflag:s16] =	ssyncadd.s32 $0xFFFE7800  }
0x17: {  	[tilespmem:s17], [sflag:$0x1] =	stream.linear.gather [hbm4b:s9+s3], $0xFA0, $0x38;
	[tilespmem:$0x1D800] =	vst v63  }
0x18: {  	_ = 	snop  }
0x19: {  	[tilespmem:s18], [sflag:$0x1] =	stream.linear.gather [hbm4b:s10+s3], $0xFA0, $0x38;
	[tilespmem:$0x1D800] =	vst v63  }
0x1a: {  	_ = 	snop  }
0x1b: {  	[tilespmem:s19], [sflag:$0x2] =	stream.linear.gather [hbm4b:s11+s3], $0xFA0, $0x38;
	[tilespmem:$0x1D800] =	vst v63  }
0x1c: {  	s25 =	simm.s32 $0x0  }
0x1d: {  	[tilespmem:s20], [sflag:$0x2] =	stream.linear.gather [hbm4b:s12+s3], $0xFA0, $0x38;
	[tilespmem:$0x1D800] =	vst v63  }
.LBB2_2:
0x1e: {  	_ =	swait.ge [sflag:s21], $0xFA0  }
0x1f: {  	[sflag:s21] =	ssyncset.done $0x0  }
0x20: {  	[sflag:s21] =	ssyncadd.s32 $0xFFFFF060  }
0x21: {  	_ =	swait.ge [sflag:s21], $0xFA0  }
0x22: {  	[sflag:s21] =	ssyncset.done $0x0  }
0x23: {  	s0 =	simm.s32 $0x18820;
	[sflag:s21] =	ssyncadd.s32 $0xFFFFF060  }
0x24: {  	v1 =	vld [tilespmem:s0+$0x10]  }
0x25: {  	v2 =	vld [tilespmem:s0+$0xFFFFFFF0]  }
0x26: {  	v3 =	vld [tilespmem:s0+$0xFFFFFFE0]  }
0x27: {  	s28 =	simm.s32 $0x18860;
	v4 =	vld [tilespmem:s0+$0x0]  }
0x28: {  	v5 =	vld [tilespmem:s28+$0x10]  }
0x29: {  	v8 =	vld [tilespmem:s28+$0xFFFFFFF0]  }
0x2a: {  	s0 =	simm.s32 $0x19820;
	v10 =	vld [tilespmem:s28+$0xFFFFFFE0]  }
0x2b: {  	v6 =	vld [tilespmem:s0+$0x10]  }
0x2c: {  	v11 =	vld [tilespmem:s0+$0xFFFFFFE0]  }
0x2d: {  	v12 =	vld [tilespmem:s0+$0xFFFFFFF0]  }
0x2e: {  	s26 =	simm.s32 $0x0;
	v7 =	vld [tilespmem:s0+$0x0]  }
0x2f: {  	v1 =	vld.idx.msk [tilespmem:v1+s26+$0x0], $0xffff  }
0x30: {  	v9 =	vld.idx.msk [tilespmem:v2+s26+$0x0], $0xffff  }
0x31: {  	v3 =	vld.idx.msk [tilespmem:v3+s26+$0x0], $0xffff  }
0x32: {  	v2 =	vld [tilespmem:s28+$0x0]  }
0x33: {  	v4 =	vld.idx.msk [tilespmem:v4+s26+$0x0], $0xffff  }
0x34: {  	s29 =	simm.s32 $0x19860;
	v5 =	vld.idx.msk [tilespmem:v5+s26+$0x0], $0xffff  }
0x35: {  	vm0 =	veq.f32 v6, v1;
	v6 =	vld [tilespmem:s29+$0x10]  }
0x36: {  	s28 =	simm.s32 $0x1C820;
	v1 =	vsel vm0, $0x3F800000, v0;
	vm0 =	veq.f32 v11, v3;
	v3 =	vld.idx.msk [tilespmem:v8+s26+$0x0], $0xffff  }
0x37: {  	s30 =	simm.s32 $0x4;
	s31 =	simm.s32 $0x188A0;
	[tilespmem:s28+$0x10] =	vst v1;
	v1 =	vld.idx.msk [tilespmem:v10+s26+$0x0], $0xffff;
	v8 =	vsel vm0, $0x3F800000, v0;
	vm0 =	veq.f32 v12, v9  }
.LBB2_3:
0x38: {  	v9 =	vld [tilespmem:s31+$0x10];
	s30 =	sadd.s32 $0x4, s30;
	[tilespmem:s28+$0xFFFFFFE0] =	vst v8;
	v8 =	vsel vm0, $0x3F800000, v0;
	vm0 =	veq.f32 v7, v4  }
0x39: {  	v10 =	vld [tilespmem:s31+$0xFFFFFFF0];
	p0 =	slt.u32 s30, $0xF4;
	[tilespmem:s28+$0xFFFFFFF0] =	vst v8;
	v4 =	vsel vm0, $0x3F800000, v0  }
0x3a: {  	v8 =	vld [tilespmem:s31+$0x0];
	vm0 =	veq.f32 v6, v5;
	[tilespmem:s28+$0x0] =	vst v4  }
0x3b: {  	s28 =	sadd.s32 $0x40, s28;
	v11 =	vld [tilespmem:s31+$0xFFFFFFE0];
	v5 =	vsel vm0, $0x3F800000, v0  }
0x3c: {  	v12 =	vmov v3;
	v4 =	vld.idx.msk [tilespmem:v2+s26+$0x0], $0xffff;
	[tilespmem:s28+$0x10] =	vst v5  }
0x3d: {  	v13 =	vld [tilespmem:s29+$0xFFFFFFE0]  }
0x3e: {  	v14 =	vld [tilespmem:s29+$0xFFFFFFF0]  }
.Ltmp2:
0x3f: {  	v7 =	vld [tilespmem:s29+$0x0];
	v2 =	vmov v8;
	(pc) =	sbr.rel @p0 .LBB2_3-.Ltmp2, $4  }
0x40: {  	s29 =	sadd.s32 $0x40, s29;
	v5 =	vld.idx.msk [tilespmem:v9+s26+$0x0], $0xffff  }
0x41: {  	v6 =	vld [tilespmem:s29+$0x10]  }
0x42: {  	v3 =	vld.idx.msk [tilespmem:v10+s26+$0x0], $0xffff;
	vm0 =	veq.f32 v13, v1  }
0x43: {  	s31 =	sadd.s32 $0x40, s31;
	v1 =	vld.idx.msk [tilespmem:v11+s26+$0x0], $0xffff;
	v8 =	vsel vm0, $0x3F800000, v0;
	vm0 =	veq.f32 v14, v12  }
0x44: {  	_ =	sdelay $0x3  }
0x45: {  	v2 =	vld.idx.msk [tilespmem:v2+s26+$0x0], $0xffff  }
0x46: {  	v9 =	vld [tilespmem:s29+$0xFFFFFFE0]  }
0x47: {  	v10 =	vld [tilespmem:s29+$0xFFFFFFF0]  }
0x48: {  	v11 =	vld [tilespmem:s29+$0x0]  }
0x49: {  	v12 =	vsel vm0, $0x3F800000, v0;
	vm11 =	veq.f32 v7, v4;
	[tilespmem:s28+$0xFFFFFFE0] =	vst v8  }
0x4a: {  	v4 =	vsel vm11, $0x3F800000, v0;
	[tilespmem:s28+$0xFFFFFFF0] =	vst v12;
	vm12 =	veq.f32 v6, v5  }
0x4b: {  	s0 =	sadd.s32 $0x40, s28;
	[tilespmem:s28+$0x0] =	vst v4;
	v63 =	vsel vm12, $0x3F800000, v0;
	vm13 =	veq.f32 v9, v1  }
0x4c: {  	[tilespmem:s0+$0x10] =	vst v63;
	vm14 =	veq.f32 v10, v3;
	v1 =	vsel vm13, $0x3F800000, v0  }
0x4d: {  	vm15 =	veq.f32 v11, v2;
	[tilespmem:s0+$0xFFFFFFE0] =	vst v1;
	v1 =	vsel vm14, $0x3F800000, v0  }
0x4e: {  	[tilespmem:s0+$0xFFFFFFF0] =	vst v1;
	v1 =	vsel vm15, $0x3F800000, v0  }
0x4f: {  	[tilespmem:s0+$0x0] =	vst v1  }
.LBB2_5:
0x50: {  	s0 =	sshra.s32 s26, $0x2  }
0x51: {  	v1 =	vld [tilespmem:s0+$0x19780];
	_ =	sdelay $0x6  }
0x52: {  	v2 =	vld [tilespmem:s0+$0x1A780]  }
0x53: {  	v1 =	vld.idx.msk [tilespmem:v1+s3+$0x0], $0xffff;
	_ =	sdelay $0x1  }
0x54: {  	p0 =	sne.s32 s26, $0x40  }
.Ltmp3:
0x55: {  	_ = 	snop;
	(pc) =	sbr.rel @p0 .LBB2_5-.Ltmp3, $4  }
0x56: {  	_ = 	snop  }
0x57: {  	vm0 =	veq.f32 v2, v1  }
0x58: {  	v1 =	vsel vm0, $0x3F800000, v0  }
0x59: {  	s26 =	sadd.s32 $0x40, s26;
	[tilespmem:s0+$0x1D780] =	vst v1  }
0x5a: {  	s26 =	smul.u32 $0x1F40, s25;
	_ =	sdelay $0x1  }
0x5b: {  	s0 =	sadd.s32 s5, s26  }
0x5c: {  	s0 =	sshrl.u32 s0, $0x3  }
0x5d: {  	p0 =	seq.s32 s25, $0x18;
	s0 =	sadd.s32 s2, s0  }
0x5e: {  	[hbm4b:s0+s3] =	stream.linear.scatter [tilespmem:s22], [sflag:$0x3], $0xFA0, $0x38;
	[tilespmem:$0x1D800] =	vst v63  }
0x5f: {  	s0 =	sadd.s32 @!p0 s26, s13;
	_ =	swait.ge [sflag:s16], $0xFA0  }
0x60: {  	s29 =	simm.s32 @!p0 $0x0;
	s0 =	sshrl.u32 @!p0 s0, $0x3;
	[sflag:s16] =	ssyncset.done $0x0  }
0x61: {  	s30 =	simm.s32 @!p0 $0x18800;
	s28 =	sadd.s32 @!p0 s4, s0;
	[sflag:s16] =	ssyncadd.s32 $0xFFFFF060  }
0x62: {  	[tilespmem:s30], [sflag:$0x1] =	stream.linear.gather @!p0 [hbm4b:s28+s29], $0xFA0, $0x38;
	[tilespmem:$0x1D800] =	vst v63  }
0x63: {  	s0 =	sadd.s32 @!p0 s6, s0;
	s28 =	simm.s32 @!p0 $0x19800  }
0x64: {  	[tilespmem:s28], [sflag:$0x1] =	stream.linear.gather @!p0 [hbm4b:s0+s29], $0xFA0, $0x38;
	[tilespmem:$0x1D800] =	vst v63  }
0x65: {  	_ =	swait.ge [sflag:s23], $0xFA0  }
0x66: {  	[sflag:s23] =	ssyncset.done $0x0  }
0x67: {  	[sflag:s23] =	ssyncadd.s32 $0xFFFFF060  }
0x68: {  	_ =	swait.ge [sflag:s23], $0xFA0  }
0x69: {  	[sflag:s23] =	ssyncset.done $0x0  }
0x6a: {  	s0 =	simm.s32 $0x1A820;
	[sflag:s23] =	ssyncadd.s32 $0xFFFFF060  }
0x6b: {  	v1 =	vld [tilespmem:s0+$0x10]  }
0x6c: {  	v2 =	vld [tilespmem:s0+$0xFFFFFFF0]  }
0x6d: {  	v3 =	vld [tilespmem:s0+$0xFFFFFFE0]  }
0x6e: {  	s29 =	simm.s32 $0x1A860;
	v4 =	vld [tilespmem:s0+$0x0]  }
0x6f: {  	v5 =	vld [tilespmem:s29+$0x10]  }
0x70: {  	v8 =	vld [tilespmem:s29+$0xFFFFFFF0]  }
0x71: {  	s0 =	simm.s32 $0x1B820;
	v10 =	vld [tilespmem:s29+$0xFFFFFFE0]  }
0x72: {  	v6 =	vld [tilespmem:s0+$0x10]  }
0x73: {  	v11 =	vld [tilespmem:s0+$0xFFFFFFE0]  }
0x74: {  	v12 =	vld [tilespmem:s0+$0xFFFFFFF0]  }
0x75: {  	s28 =	simm.s32 $0x0;
	v7 =	vld [tilespmem:s0+$0x0]  }
0x76: {  	v1 =	vld.idx.msk [tilespmem:v1+s28+$0x0], $0xffff  }
0x77: {  	v9 =	vld.idx.msk [tilespmem:v2+s28+$0x0], $0xffff  }
0x78: {  	v3 =	vld.idx.msk [tilespmem:v3+s28+$0x0], $0xffff  }
0x79: {  	v2 =	vld [tilespmem:s29+$0x0]  }
0x7a: {  	v4 =	vld.idx.msk [tilespmem:v4+s28+$0x0], $0xffff  }
0x7b: {  	s30 =	simm.s32 $0x1B860;
	v5 =	vld.idx.msk [tilespmem:v5+s28+$0x0], $0xffff  }
0x7c: {  	vm0 =	veq.f32 v6, v1;
	v6 =	vld [tilespmem:s30+$0x10]  }
0x7d: {  	s29 =	simm.s32 $0x1C820;
	v1 =	vsel vm0, $0x3F800000, v0;
	vm0 =	veq.f32 v11, v3;
	v3 =	vld.idx.msk [tilespmem:v8+s28+$0x0], $0xffff  }
0x7e: {  	s31 =	simm.s32 $0x4;
	s0 =	simm.s32 $0x1A8A0;
	[tilespmem:s29+$0x10] =	vst v1;
	v1 =	vld.idx.msk [tilespmem:v10+s28+$0x0], $0xffff;
	v8 =	vsel vm0, $0x3F800000, v0;
	vm0 =	veq.f32 v12, v9  }
.LBB2_7:
0x7f: {  	v9 =	vld [tilespmem:s0+$0x10];
	s31 =	sadd.s32 $0x4, s31;
	[tilespmem:s29+$0xFFFFFFE0] =	vst v8;
	v8 =	vsel vm0, $0x3F800000, v0;
	vm0 =	veq.f32 v7, v4  }
0x80: {  	v10 =	vld [tilespmem:s0+$0xFFFFFFF0];
	p1 =	slt.u32 s31, $0xF4;
	[tilespmem:s29+$0xFFFFFFF0] =	vst v8;
	v4 =	vsel vm0, $0x3F800000, v0  }
0x81: {  	v8 =	vld [tilespmem:s0+$0x0];
	vm0 =	veq.f32 v6, v5;
	[tilespmem:s29+$0x0] =	vst v4  }
0x82: {  	s29 =	sadd.s32 $0x40, s29;
	v11 =	vld [tilespmem:s0+$0xFFFFFFE0];
	v5 =	vsel vm0, $0x3F800000, v0  }
0x83: {  	v12 =	vmov v3;
	v4 =	vld.idx.msk [tilespmem:v2+s28+$0x0], $0xffff;
	[tilespmem:s29+$0x10] =	vst v5  }
0x84: {  	v13 =	vld [tilespmem:s30+$0xFFFFFFE0]  }
0x85: {  	v14 =	vld [tilespmem:s30+$0xFFFFFFF0]  }
.Ltmp4:
0x86: {  	v7 =	vld [tilespmem:s30+$0x0];
	v2 =	vmov v8;
	(pc) =	sbr.rel @p1 .LBB2_7-.Ltmp4, $4  }
0x87: {  	s30 =	sadd.s32 $0x40, s30;
	v5 =	vld.idx.msk [tilespmem:v9+s28+$0x0], $0xffff  }
0x88: {  	v6 =	vld [tilespmem:s30+$0x10]  }
0x89: {  	v3 =	vld.idx.msk [tilespmem:v10+s28+$0x0], $0xffff;
	vm0 =	veq.f32 v13, v1  }
0x8a: {  	s0 =	sadd.s32 $0x40, s0;
	v1 =	vld.idx.msk [tilespmem:v11+s28+$0x0], $0xffff;
	v8 =	vsel vm0, $0x3F800000, v0;
	vm0 =	veq.f32 v14, v12  }
0x8b: {  	_ =	sdelay $0x3  }
0x8c: {  	v2 =	vld.idx.msk [tilespmem:v2+s28+$0x0], $0xffff  }
0x8d: {  	v9 =	vld [tilespmem:s30+$0xFFFFFFE0]  }
0x8e: {  	v10 =	vld [tilespmem:s30+$0xFFFFFFF0]  }
0x8f: {  	v11 =	vld [tilespmem:s30+$0x0]  }
0x90: {  	v12 =	vsel vm0, $0x3F800000, v0;
	vm11 =	veq.f32 v7, v4;
	[tilespmem:s29+$0xFFFFFFE0] =	vst v8  }
0x91: {  	v4 =	vsel vm11, $0x3F800000, v0;
	[tilespmem:s29+$0xFFFFFFF0] =	vst v12;
	vm12 =	veq.f32 v6, v5  }
0x92: {  	s0 =	sadd.s32 $0x40, s29;
	[tilespmem:s29+$0x0] =	vst v4;
	v63 =	vsel vm12, $0x3F800000, v0;
	vm13 =	veq.f32 v9, v1  }
0x93: {  	[tilespmem:s0+$0x10] =	vst v63;
	vm14 =	veq.f32 v10, v3;
	v1 =	vsel vm13, $0x3F800000, v0  }
0x94: {  	vm15 =	veq.f32 v11, v2;
	[tilespmem:s0+$0xFFFFFFE0] =	vst v1;
	v1 =	vsel vm14, $0x3F800000, v0  }
0x95: {  	[tilespmem:s0+$0xFFFFFFF0] =	vst v1;
	v1 =	vsel vm15, $0x3F800000, v0  }
0x96: {  	[tilespmem:s0+$0x0] =	vst v1  }
.LBB2_9:
0x97: {  	s0 =	sshra.s32 s28, $0x2  }
0x98: {  	v1 =	vld [tilespmem:s0+$0x1B780];
	_ =	sdelay $0x6  }
0x99: {  	v2 =	vld [tilespmem:s0+$0x1C780]  }
0x9a: {  	v1 =	vld.idx.msk [tilespmem:v1+s3+$0x0], $0xffff;
	_ =	sdelay $0x1  }
0x9b: {  	p1 =	sne.s32 s28, $0x40  }
.Ltmp5:
0x9c: {  	_ = 	snop;
	(pc) =	sbr.rel @p1 .LBB2_9-.Ltmp5, $4  }
0x9d: {  	_ = 	snop  }
0x9e: {  	vm0 =	veq.f32 v2, v1  }
0x9f: {  	v1 =	vsel vm0, $0x3F800000, v0  }
0xa0: {  	s28 =	sadd.s32 $0x40, s28;
	[tilespmem:s0+$0x1D780] =	vst v1  }
0xa1: {  	s0 =	sadd.s32 s26, s8  }
0xa2: {  	s0 =	sshrl.u32 s0, $0x3  }
.Ltmp6:
0xa3: {  	s0 =	sadd.s32 s2, s0;
	(pc) =	sbr.rel @p0 .LBB2_12-.Ltmp6, $4  }
0xa4: {  	[hbm4b:s0+s3] =	stream.linear.scatter [tilespmem:s22], [sflag:$0x3], $0xFA0, $0x38;
	[tilespmem:$0x1D800] =	vst v63  }
0xa5: {  	_ =	swait.ge [sflag:s16], $0xFA0  }
0xa6: {  	[sflag:s16] =	ssyncset.done $0x0  }
0xa7: {  	[sflag:s16] =	ssyncadd.s32 $0xFFFFF060  }
0xa8: {  	s0 =	sadd.s32 s26, s14  }
.Ltmp7:
0xa9: {  	s0 =	sshrl.u32 s0, $0x3;
	(pc) =	sbr.rel .LBB2_2-.Ltmp7, $4  }
0xaa: {  	s31 =	sadd.s32 s4, s0  }
0xab: {  	[tilespmem:s19], [sflag:$0x2] =	stream.linear.gather [hbm4b:s31+s3], $0xFA0, $0x38;
	[tilespmem:$0x1D800] =	vst v63  }
0xac: {  	s25 =	sadd.s32 $0x1, s25;
	s0 =	sadd.s32 s6, s0  }
0xad: {  	[tilespmem:s20], [sflag:$0x2] =	stream.linear.gather [hbm4b:s0+s3], $0xFA0, $0x38;
	[tilespmem:$0x1D800] =	vst v63  }
.LBB2_13:
0xae: {  	_ =	sfence.sel $0x180000  }
0xaf: {  	[bflag:$0x0] =	sbarrier.arrive $0xFFFF  }
0xb0: {  	_ =	strace $0x9000004A  }
0xb1: {  	[bflag:$0x2] =	sbarrier.arrive $0xFFFF  }
0xb2: {  	p0 =	sne.s32 s1, $0x0;
	s0 =	rddreg [dreg:$0x2]  }
0xb3: {  	s0 =	sadd.s32 @!p0 $0x100000, s0  }
0xb4: {  	[sflag:s0] =	ssyncadd.tile.s32 @!p0 $0x1;
	_ =	shalt  }
.Lfunc_end2:
_tile_overlayer_lowered:
.L_overlay_start_2:
0xb5: {  	(tag) =	ssettag $0x2  }
0xb6: {  	s0 =	rddreg [dreg:$0x0];
	s2 =	stileid.u32  }
0xb7: {  	s1 =	rddreg [dreg:$0x1];
	p0 =	sne.s32 s2, $0x0  }
0xb8: {  	s3 =	rddreg [dreg:$0x2];
	[bflag:$0x3] =	sbarrier.arrive $0xFFFF;
	s2 =	simm.s32 @!p0 $0x1C03  }
0xb9: {  	[timem:s3], [sflag:s2] =	dma.local @!p0 [hbm:s0], s1  }
0xba: {  	s0 =	simm.s32 @!p0 $0x3  }
0xbb: {  	_ =	swait.ge @!p0 [sflag:s0], s1  }
0xbc: {  	s1 =	ssub.s32 @!p0 $0x0, s1;
	[sflag:s0] =	ssyncset.done @!p0 $0x0  }
0xbd: {  	[sflag:s0] =	ssyncadd.s32 @!p0 s1  }
0xbe: {  	[bflag:$0x3] =	sbarrier.arrive $0xFFFF  }
0xbf: {  	_ =	shalt  }

// kernel: kernel.7.cloned.1.call-start
scs
__scs_entry_jumppad:
0x0: {  	(pc) =	sbr.rel $0x88, $3  }
0x1: {  	(tag) =	ssettag $0x0;
	lr =	simm.s32 $0x1  }
0x2: {  	[smem:$0x3F9E] =	sst lr;
	_ =	strace $0xD0000000  }
0x3: {  	_ = 	snop  }
0x4: {  	_ = 	snop  }
0x5: {  	_ = 	snop  }
0x6: {  	_ = 	snop  }
0x7: {  	_ = 	snop  }
__scs_overlays_trampoline_lowered:
0x8: {  	[smem:$0x3FAD] =	sst s0  }
0x9: {  	[smem:$0x3FAE] =	sst s1  }
0xa: {  	[smem:$0x3FAF] =	sst s2  }
0xb: {  	[smem:$0x3FB0] =	sst s3  }
0xc: {  	[smem:$0x3FB1] =	sst s4  }
0xd: {  	[smem:$0x3FB2] =	sst s5  }
0xe: {  	[smem:$0x3FB3] =	sst s6  }
0xf: {  	[smem:$0x3FB4] =	sst s7  }
0x10: {  	[smem:$0x3FB5] =	sst s8  }
0x11: {  	[smem:$0x3FB6] =	sst s9;
	s0 =	simm.s32 @!p0 $0x0  }
0x12: {  	s1 =	sld [smem:$0x3F9C];
	s0 =	simm.s32 @p0 $0x1  }
0x13: {  	[smem:$0x3FB7] =	sst s0;
	s0 =	simm.s32 @!p1 $0x0  }
0x14: {  	s2 =	sld [smem:$0x3F9B];
	s0 =	simm.s32 @p1 $0x1  }
0x15: {  	[smem:$0x3FB8] =	sst s0;
	s0 =	simm.s32 @!p2 $0x0  }
0x16: {  	s3 =	sld [smem:$0x3FDB];
	s0 =	simm.s32 @p2 $0x1  }
0x17: {  	s4 =	simm.s32 $0x1BF5;
	[smem:$0x3FBA] =	sst s0  }
0x18: {  	s0 =	sld [smem:$0x3F9D];
	_ =	swait.ge [sflag:s4], $0x0  }
0x19: {  	s7 =	sld [smem:$0x3F9E]  }
0x1a: {  	s8 =	sadd.s32 $0xFFFFE003, lr  }
0x1b: {  	s9 =	sadd.s32 $0xFFFFFEF7, lr;
	s5 =	simm.s32 $0xFFFFFFFF;
	p2 =	slt.u32 s8, $0xFFFFF086  }
0x1c: {  	p1 =	slt.u32 s9, $0xF7A;
	s5 =	simm.s32 @!p2 $0x0  }
0x1d: {  	s5 =	simm.s32 @p1 $0x1;
	p0 =	seq.s32 s7, s2  }
0x1e: {  	s7 =	smul.u32 @!p0 $0xF7A, s2;
	p2 =	seq.s32 @!p0 s5, $0x0  }
0x1f: {  	s9 =	smul.u32 $0xF7A, s1;
	s8 =	simm.s32 @!p0 $0x1BF5;
	p2 =	por !p2, p0  }
0x20: {  	[sflag:s8] =	ssyncset.s32 @!p0 $0xFFFFF086;
	s6 =	sadd.s32 @!p0 s3, s7;
	s7 =	simm.s32 @!p0 $0x108  }
0x21: {  	s3 =	sadd.s32 s3, s9;
	s6 =	sadd.s32 @!p0 $0x88, s6;
	s7 =	simm.s32 @p2 $0x1082  }
0x22: {  	[simem:s7], [sflag:s8] =	dma.local @!p0 [hbm:s6], $0xF7A  }
0x23: {  	s9 =	sor.u32 $0xD0000000, s2;
	s6 =	simm.s32 $0x108;
	_ =	swait.ge @!p0 [sflag:s8], $0x0  }
0x24: {  	s3 =	sadd.s32 $0x88, s3;
	s6 =	simm.s32 @!p1 $0x1082;
	[sflag:s4] =	ssyncset.s32 $0xFFFFF086  }
0x25: {  	[simem:s6], [sflag:s4] =	dma.local [hbm:s3], $0xF7A  }
0x26: {  	[smem:$0x3F9E] =	sst s1;
	(tag) =	ssettag s2;
	_ =	strace s9  }
0x27: {  	s1 =	sld [smem:$0x3FAE]  }
0x28: {  	s2 =	sld [smem:$0x3FAF]  }
0x29: {  	s4 =	sld [smem:$0x3FB1]  }
0x2a: {  	p0 =	seq.s32 s5, $0x0;
	s5 =	sld [smem:$0x3FB2]  }
0x2b: {  	s6 =	sld [smem:$0x3FB3]  }
0x2c: {  	s7 =	sld [smem:$0x3FB4]  }
0x2d: {  	s3 =	simm.s32 $0x108;
	s8 =	sld [smem:$0x3FB5]  }
0x2e: {  	s3 =	simm.s32 @!p0 $0x1082;
	s9 =	sld [smem:$0x3FB6]  }
0x2f: {  	lr =	sadd.s32 s0, s3;
	s0 =	sld [smem:$0x3FAD]  }
0x30: {  	s3 =	sld [smem:$0x3FB0]  }
0x31: {  	[smem:$0x3FB9] =	sst s10  }
0x32: {  	s10 =	sld [smem:$0x3FB7];
	_ =	sdelay $0x3  }
0x33: {  	p0 =	seq.s32 s10, $0x1;
	s10 =	sld [smem:$0x3FB9];
	_ =	sdelay $0x3  }
0x34: {  	[smem:$0x3FB9] =	sst s10  }
0x35: {  	s10 =	sld [smem:$0x3FB8];
	_ =	sdelay $0x3  }
0x36: {  	p1 =	seq.s32 s10, $0x1;
	s10 =	sld [smem:$0x3FB9];
	_ =	sdelay $0x3  }
0x37: {  	[smem:$0x3FB9] =	sst s10  }
0x38: {  	s10 =	sld [smem:$0x3FBA]  }
0x39: {  	_ = 	snop;
	(pc) =	sbr.ind lr, $3  }
0x3a: {  	_ = 	snop  }
0x3b: {  	_ = 	snop  }
0x3c: {  	p2 =	seq.s32 s10, $0x1;
	s10 =	sld [smem:$0x3FB9]  }
0x3d: {  	_ =	shalt  }
0x3e: {  	_ =	shalt  }
0x3f: {  	_ =	shalt  }
0x40: {  	_ =	shalt  }
0x41: {  	_ =	shalt  }
0x42: {  	_ =	shalt  }
0x43: {  	_ =	shalt  }
0x44: {  	_ =	shalt  }
0x45: {  	_ =	shalt  }
0x46: {  	_ =	shalt  }
0x47: {  	_ =	shalt  }
0x48: {  	_ =	shalt  }
0x49: {  	_ =	shalt  }
0x4a: {  	_ =	shalt  }
0x4b: {  	_ =	shalt  }
0x4c: {  	_ =	shalt  }
0x4d: {  	_ =	shalt  }
0x4e: {  	_ =	shalt  }
0x4f: {  	_ =	shalt  }
0x50: {  	_ =	shalt  }
0x51: {  	_ =	shalt  }
0x52: {  	_ =	shalt  }
0x53: {  	_ =	shalt  }
0x54: {  	_ =	shalt  }
0x55: {  	_ =	shalt  }
0x56: {  	_ =	shalt  }
0x57: {  	_ =	shalt  }
0x58: {  	_ =	shalt  }
0x59: {  	_ =	shalt  }
0x5a: {  	_ =	shalt  }
0x5b: {  	_ =	shalt  }
0x5c: {  	_ =	shalt  }
0x5d: {  	_ =	shalt  }
0x5e: {  	_ =	shalt  }
0x5f: {  	_ =	shalt  }
0x60: {  	_ =	shalt  }
0x61: {  	_ =	shalt  }
0x62: {  	_ =	shalt  }
0x63: {  	_ =	shalt  }
0x64: {  	_ =	shalt  }
0x65: {  	_ =	shalt  }
0x66: {  	_ =	shalt  }
0x67: {  	_ =	shalt  }
0x68: {  	_ =	shalt  }
0x69: {  	_ =	shalt  }
0x6a: {  	_ =	shalt  }
0x6b: {  	_ =	shalt  }
0x6c: {  	_ =	shalt  }
0x6d: {  	_ =	shalt  }
0x6e: {  	_ =	shalt  }
0x6f: {  	_ =	shalt  }
0x70: {  	_ =	shalt  }
0x71: {  	_ =	shalt  }
0x72: {  	_ =	shalt  }
0x73: {  	_ =	shalt  }
0x74: {  	_ =	shalt  }
0x75: {  	_ =	shalt  }
0x76: {  	_ =	shalt  }
0x77: {  	_ =	shalt  }
0x78: {  	_ =	shalt  }
0x79: {  	_ =	shalt  }
0x7a: {  	_ =	shalt  }
0x7b: {  	_ =	shalt  }
0x7c: {  	_ =	shalt  }
0x7d: {  	_ =	shalt  }
0x7e: {  	_ =	shalt  }
0x7f: {  	_ =	shalt  }
0x80: {  	_ =	shalt  }
0x81: {  	_ =	shalt  }
0x82: {  	_ =	shalt  }
0x83: {  	_ =	shalt  }
0x84: {  	_ =	shalt  }
0x85: {  	_ =	shalt  }
0x86: {  	_ =	shalt  }
0x87: {  	_ =	shalt  }
.Lfunc_end0:
.L_simem_size_0:
called_computation_lowered:
.L_overlay_start_0:
0x88: {  	s2 =	sld [smem:$0x3FD9]  }
0x89: {  	s3 =	sld [smem:$0x3FFE];
	_ =	sdelay $0x1  }
0x8a: {  	s1 =	srdreg.scid  }
0x8b: {  	s0 =	sand.u32 $0x1, s1  }
0x8c: {  	s14 =	sshll.u32 s0, $0xA;
	s2 =	sadd.s32 s3, s2  }
0x8d: {  	s2 =	sadd.s32 s2, s14  }
0x8e: {  	[smem:$0x3FC5] =	sst s2  }
0x8f: {  	_ = 	snop  }
0x90: {  	s2 =	sld [smem:$0x3FD0];
	_ =	sdelay $0x2  }
0x91: {  	s15 =	simm.s32 $0xA;
	s4 =	simm.s32 $0x10  }
0x92: {  	[smem:s4], [sflag:s15] =	dma.local [hbm:s2], $0x1  }
0x93: {  	_ =	swait.eq [sflag:s15], $0x1  }
0x94: {  	[sflag:s15] =	ssyncset.done $0x0  }
0x95: {  	[sflag:s15] =	ssyncadd.s32 $0xFFFFFFFF  }
0x96: {  	s16 =	sld [smem:$0x11];
	(tm) =	ssettm $0x1  }
0x97: {  	s17 =	sld [smem:$0x3FFB];
	_ =	sdelay $0x3  }
0x98: {  	_ =	strace s17  }
0x99: {  	s3 =	sld [smem:$0x3FFC];
	_ =	sdelay $0x3  }
0x9a: {  	_ =	strace s3  }
0x9b: {  	s3 =	sld [smem:$0x3FFD];
	_ =	sdelay $0x3  }
0x9c: {  	_ =	strace s3  }
0x9d: {  	_ =	strace $0x8FFFFFFF  }
0x9e: {  	s18 =	sld [smem:$0x3FDB];
	_ =	sdelay $0x1  }
0x9f: {  	s19 =	simm.s32 $_scs_section_size  }
0xa0: {  	s5 =	simm.s32 $_size__tile_overlayer_lowered;
	s6 =	simm.s32 $_tile_overlayer_lowered  }
0xa1: {  	s22 =	simm.s32 $0x1BFF;
	s21 =	sshll.u32 s6, $0x1;
	s3 =	sadd.s32 s19, s18  }
0xa2: {  	s7 =	simm.s32 $0x0;
	s20 =	sshll.u32 s5, $0x1;
	s5 =	sadd.s32 s21, s3  }
0xa3: {  	[timem:s7], [sflag:s22] =	dma.local [hbm:s5], s20  }
0xa4: {  	_ =	swait.ge [sflag:s22], s20  }
0xa5: {  	s4 =	ssub.s32 $0x0, s20;
	[sflag:s22] =	ssyncset.done $0x0  }
0xa6: {  	[sflag:s22] =	ssyncadd.s32 s4;
	_ =	sdelay $0x1  }
0xa7: {  	s23 =	simm.s32 $0x1B8B  }
0xa8: {  	_ =	swait.ge [sflag:s23], $0x1  }
0xa9: {  	[sflag:s23] =	ssyncset.done $0x0  }
0xaa: {  	s25 =	simm.s32 $0x1B8E;
	s24 =	sld [smem:$0x3FFE];
	[sflag:s23] =	ssyncadd.s32 $0xFFFFFFFF  }
0xab: {  	s26 =	simm.s32 $execute0_lowered;
	[smem:$0x3FD2] =	sst s25  }
0xac: {  	s5 =	sshll.u32 s26, $0x1;
	_ =	strace $0x80000046;
	[dreg:$0x1] =	wrdreg $0xFFFFFFFF  }
0xad: {  	s28 =	simm.s32 $_size_execute0_lowered;
	s3 =	sadd.s32 s3, s5;
	[dreg:$0x0] =	wrdreg $0x0  }
0xae: {  	s5 =	sshll.u32 s28, $0x1;
	[dreg:$0x2] =	wrdreg s3  }
0xaf: {  	[dreg:$0x3] =	wrdreg s5  }
0xb0: {  	[dreg:$0x4] =	wrdreg $0xC0  }
0xb1: {  	_ =	task [dreg:s7], $0x5FFFF  }
0xb2: {  	[dreg:$0x1] =	wrdreg $0xFFFFFFFF  }
0xb3: {  	[dreg:$0x0] =	wrdreg $0x60  }
0xb4: {  	[dreg:$0x2] =	wrdreg s24  }
0xb5: {  	[dreg:$0x3] =	wrdreg s16  }
0xb6: {  	[dreg:$0x4] =	wrdreg $0x9  }
0xb7: {  	_ =	task.clear_ibuf [dreg:s7], $0x5FFFF;
	_ =	strace $0x90000046  }
0xb8: {  	s29 =	simm.s32 $0x9;
	_ =	strace $0x80000048  }
0xb9: {  	_ =	swait.ge [sflag:s29], $0x1  }
0xba: {  	[sflag:s29] =	ssyncadd.s32 $0xFFFFFFFF  }
0xbb: {  	_ =	strace $0x90000048  }
0xbc: {  	_ =	sfence  }
0xbd: {  	s30 =	sld [smem:$0x0];
	_ =	sdelay $0x2  }
0xbe: {  	s31 =	sshll.u32 s1, $0xD;
	s1 =	sshrl.u32 s1, $0x2  }
0xbf: {  	s3 =	sand.u32 $0x4000, s31;
	s1 =	sadd.s32 s1, s30  }
0xc0: {  	s0 =	sor.u32 s3, s0;
	s1 =	sshll.u32 s1, $0x11  }
0xc1: {  	s0 =	sor.u32 s1, s0  }
0xc2: {  	s0 =	sadd.s32 $0x8F2B, s0  }
0xc3: {  	[sflag:s0] =	ssyncadd.remote.s32 $0x1  }
0xc4: {  	_ =	sfence.sel $0xFFFF  }
0xc5: {  	[dreg:$0x0] =	wrdreg $0xFFFFFFFF;
	(pc) =	sbr.abs _section_cstart, $3  }
0xc6: {  	[dreg:$0x1] =	wrdreg $0xFFFFFFFF  }
0xc7: {  	_ =	task.clear_ibuf [dreg:s7], $0x2FFFF;
	_ =	strace $0x9FFFFFFF  }
0xc8: {  	(tm) =	ssettm $0x7FFFFFFF  }
0xc9: {  	_ =	shalt  }
tec
execute0_lowered:
.L_overlay_start_1:
0x0: {  	(tag) =	ssettag $0x1  }
0x1: {  	s4 =	rddreg [dreg:$0x0];
	s1 =	srdreg.scid  }
0x2: {  	s0 =	stileid.u32;
	s11 =	rddreg [dreg:$0x1]  }
0x3: {  	s2 =	simm.s32 $0x0;
	s14 =	simm.s32 $0x19800;
	s15 =	simm.s32 $0x1A800  }
0x4: {  	s16 =	simm.s32 $0x1B800;
	s17 =	simm.s32 $0x1;
	s18 =	simm.s32 $0x2  }
0x5: {  	s19 =	simm.s32 $0x3;
	s3 =	sand.u32 $0x1, s1;
	s5 =	sshll.u32 s0, $0x1  }
0x6: {  	s20 =	simm.s32 $0x0;
	s1 =	rddreg [dreg:$0x2];
	s6 =	sor.u32 s3, s5  }
0x7: {  	[smem:$0x7FF] =	sst s2;
	s30 =	ssub.s32 $0x2, s3;
	s10 =	smul.u32 $0x30D40, s6  }
0x8: {  	_ =	strace $0x80000047;
	s3 =	sadd.s32 $0x200, s4;
	s13 =	smul.u32 $0x3100, s6  }
.Ltmp0:
0x9: {  	s4 =	sadd.s32 $0xC3800, s4;
	s7 =	sshrl.u32 s30, $0x1;
	(pc) =	sbr.rel .LBB2_1-.Ltmp0, $4  }
0xa: {  	s12 =	ssub.s32 s30, s7;
	s31 =	sshrl.u32 s10, $0x3;
	s9 =	sadd.s32 $0x1F40, s10  }
0xb: {  	s10 =	sadd.s32 $0x2EE0, s10;
	s11 =	sadd.s32 s11, s13;
	s12 =	smax.u32 s12, $0x1  }
0xc: {  	s13 =	simm.s32 $0x18800;
	s5 =	sadd.s32 s3, s31;
	s8 =	sadd.s32 $0x1F4, s31  }
0xd: {  	v0 =	vimm.f32 $-Inf;
	s6 =	sadd.s32 s4, s31;
	s7 =	sadd.s32 s3, s8;
	s8 =	sadd.s32 s4, s8  }
.LBB2_10:
0xe: {  	s20 =	sadd.s32 $0x1, s20  }
0xf: {  	p0 =	sne.s32 s20, s12  }
.Ltmp1:
0x10: {  	_ = 	snop;
	(pc) =	sbr.rel @!p0 .LBB2_11-.Ltmp1, $4  }
0x11: {  	[hbm4b:s11+s2] =	stream.linear.scatter [tilespmem:s2], [sflag:$0x3], $0x18800, $0x38;
	[tilespmem:$0x1C800] =	vst v63  }
0x12: {  	_ =	swait.ge [sflag:s19], $0x18800  }
0x13: {  	[sflag:s19] =	ssyncset.done $0x0  }
0x14: {  	[sflag:s19] =	ssyncadd.s32 $0xFFFE7800  }
.LBB2_1:
0x15: {  	s21 =	simm.s32 $0x40;
	s22 =	simm.s32 $0x0  }
.LBB2_2:
0x16: {  	p0 =	sne.s32 s21, $0x61FC0;
	[tilespmem:s22+$0x0] =	vst v0;
	s22 =	smov.u32 s21;
	s21 =	sadd.s32 $0x40, s21  }
.Ltmp2:
0x17: {  	(pc) =	sbr.rel @p0 .LBB2_2-.Ltmp2, $2  }
0x18: {  	_ =	sdelay $0x2  }
0x19: {  	s22 =	sshra.s32 s22, $0x2  }
0x1a: {  	[tilespmem:s22+$0x0] =	vst v0;
	s21 =	simm.s32 $0x0  }
0x1b: {  	[tilespmem:s13], [sflag:$0x1] =	stream.linear.gather [hbm4b:s5+s21], $0xFA0, $0x38;
	[tilespmem:$0x1C800] =	vst v63  }
0x1c: {  	_ = 	snop  }
0x1d: {  	[tilespmem:s14], [sflag:$0x1] =	stream.linear.gather [hbm4b:s6+s21], $0xFA0, $0x38;
	[tilespmem:$0x1C800] =	vst v63  }
0x1e: {  	_ = 	snop  }
0x1f: {  	[tilespmem:s15], [sflag:$0x2] =	stream.linear.gather [hbm4b:s7+s21], $0xFA0, $0x38;
	[tilespmem:$0x1C800] =	vst v63  }
0x20: {  	_ = 	snop  }
0x21: {  	[tilespmem:s16], [sflag:$0x2] =	stream.linear.gather [hbm4b:s8+s21], $0xFA0, $0x38;
	[tilespmem:$0x1C800] =	vst v63  }
.LBB2_4:
0x22: {  	_ =	swait.ge [sflag:s17], $0xFA0  }
0x23: {  	[sflag:s17] =	ssyncset.done $0x0  }
0x24: {  	[sflag:s17] =	ssyncadd.s32 $0xFFFFF060  }
0x25: {  	_ =	swait.ge [sflag:s17], $0xFA0  }
0x26: {  	[sflag:s17] =	ssyncset.done $0x0  }
0x27: {  	s23 =	simm.s32 $0x0;
	[sflag:s17] =	ssyncadd.s32 $0xFFFFF060  }
0x28: {  	s22 =	simm.s32 $0x40;
	v1 =	vld [tilespmem:s23+$0x19800]  }
.LBB2_5:
0x29: {  	p0 =	sne.s32 s22, $0x3E40;
	v2 =	vld [tilespmem:s23+$0x18800];
	_ =	sdelay $0x4  }
0x2a: {  	(xrf1) =	vsort.ascd.msk.f32 $0xffff, v1, v2;
	_ =	sdelay $0xd  }
0x2b: {  	v1, v2, _ =	vpop (xrf1);
	_ =	sdelay $0x4  }
0x2c: {  	v3 =	vld.idx.msk [tilespmem:v2+s2+$0x0], $0xffff;
	_ =	sdelay $0x3  }
.Ltmp3:
0x2d: {  	(pc) =	sbr.rel @p0 .LBB2_5-.Ltmp3, $4  }
0x2e: {  	_ = 	snop  }
0x2f: {  	v1 =	vmax.f32 v3, v1  }
0x30: {  	s23 =	sshra.s32 s22, $0x2;
	[tilespmem:v2+s2+$0x0] =	vst.idx.msk $0xffff, v1  }
0x31: {  	s22 =	sadd.s32 $0x40, s22;
	v1 =	vld [tilespmem:s23+$0x19800]  }
0x32: {  	v2 =	vld [tilespmem:s23+$0x18800];
	_ =	sdelay $0x4  }
0x33: {  	(xrf1) =	vsort.ascd.msk.f32 $0xffff, v1, v2;
	_ =	sdelay $0xd  }
0x34: {  	v1, v2, _ =	vpop (xrf1);
	_ =	sdelay $0x3  }
0x35: {  	v3 =	vld.idx.msk [tilespmem:v2+s2+$0x0], $0xffff  }
0x36: {  	p0 =	seq.s32 s21, $0x18  }
0x37: {  	s22 =	smul.u32 @!p0 $0x1F40, s21;
	_ =	sdelay $0x1  }
0x38: {  	s22 =	sadd.s32 @!p0 s22, s9  }
0x39: {  	s22 =	sshrl.u32 @!p0 s22, $0x3;
	v1 =	vmax.f32 v3, v1  }
0x3a: {  	s24 =	simm.s32 @!p0 $0x0;
	s25 =	simm.s32 @!p0 $0x18800;
	s23 =	sadd.s32 @!p0 s3, s22;
	[tilespmem:v2+s2+$0x0] =	vst.idx.msk $0xffff, v1  }
0x3b: {  	[tilespmem:s25], [sflag:$0x1] =	stream.linear.gather @!p0 [hbm4b:s23+s24], $0xFA0, $0x38;
	[tilespmem:$0x1C800] =	vst v63  }
0x3c: {  	s22 =	sadd.s32 @!p0 s4, s22;
	s23 =	simm.s32 @!p0 $0x19800  }
0x3d: {  	[tilespmem:s23], [sflag:$0x1] =	stream.linear.gather @!p0 [hbm4b:s22+s24], $0xFA0, $0x38;
	[tilespmem:$0x1C800] =	vst v63  }
0x3e: {  	_ =	swait.ge [sflag:s18], $0xFA0  }
0x3f: {  	[sflag:s18] =	ssyncset.done $0x0  }
0x40: {  	[sflag:s18] =	ssyncadd.s32 $0xFFFFF060  }
0x41: {  	_ =	swait.ge [sflag:s18], $0xFA0  }
0x42: {  	[sflag:s18] =	ssyncset.done $0x0  }
0x43: {  	s23 =	simm.s32 $0x0;
	[sflag:s18] =	ssyncadd.s32 $0xFFFFF060  }
0x44: {  	s22 =	simm.s32 $0x40;
	v1 =	vld [tilespmem:s23+$0x1B800]  }
.LBB2_7:
0x45: {  	p1 =	sne.s32 s22, $0x3E40;
	v2 =	vld [tilespmem:s23+$0x1A800];
	_ =	sdelay $0x4  }
0x46: {  	(xrf1) =	vsort.ascd.msk.f32 $0xffff, v1, v2;
	_ =	sdelay $0xd  }
0x47: {  	v1, v2, _ =	vpop (xrf1);
	_ =	sdelay $0x4  }
0x48: {  	v3 =	vld.idx.msk [tilespmem:v2+s2+$0x0], $0xffff;
	_ =	sdelay $0x3  }
.Ltmp4:
0x49: {  	(pc) =	sbr.rel @p1 .LBB2_7-.Ltmp4, $4  }
0x4a: {  	_ = 	snop  }
0x4b: {  	v1 =	vmax.f32 v3, v1  }
0x4c: {  	s23 =	sshra.s32 s22, $0x2;
	[tilespmem:v2+s2+$0x0] =	vst.idx.msk $0xffff, v1  }
0x4d: {  	s22 =	sadd.s32 $0x40, s22;
	v1 =	vld [tilespmem:s23+$0x1B800]  }
0x4e: {  	v2 =	vld [tilespmem:s23+$0x1A800];
	_ =	sdelay $0x4  }
0x4f: {  	(xrf1) =	vsort.ascd.msk.f32 $0xffff, v1, v2;
	_ =	sdelay $0xd  }
0x50: {  	v1, v2, _ =	vpop (xrf1);
	_ =	sdelay $0x3  }
0x51: {  	v3 =	vld.idx.msk [tilespmem:v2+s2+$0x0], $0xffff;
	_ =	sdelay $0x1  }
.Ltmp5:
0x52: {  	_ = 	snop;
	(pc) =	sbr.rel @p0 .LBB2_10-.Ltmp5, $3  }
0x53: {  	_ =	sdelay $0x1  }
0x54: {  	v1 =	vmax.f32 v3, v1  }
0x55: {  	[tilespmem:v2+s2+$0x0] =	vst.idx.msk $0xffff, v1  }
0x56: {  	s22 =	smul.u32 $0x1F40, s21;
	_ =	sdelay $0x1  }
0x57: {  	s22 =	sadd.s32 s22, s10  }
.Ltmp6:
0x58: {  	s22 =	sshrl.u32 s22, $0x3;
	(pc) =	sbr.rel .LBB2_4-.Ltmp6, $4  }
0x59: {  	s23 =	sadd.s32 s3, s22  }
0x5a: {  	[tilespmem:s15], [sflag:$0x2] =	stream.linear.gather [hbm4b:s23+s2], $0xFA0, $0x38;
	[tilespmem:$0x1C800] =	vst v63  }
0x5b: {  	s21 =	sadd.s32 $0x1, s21;
	s22 =	sadd.s32 s4, s22  }
0x5c: {  	[tilespmem:s16], [sflag:$0x2] =	stream.linear.gather [hbm4b:s22+s2], $0xFA0, $0x38;
	[tilespmem:$0x1C800] =	vst v63  }
.LBB2_11:
0x5d: {  	_ =	sfence.sel $0x180000  }
0x5e: {  	[bflag:$0x0] =	sbarrier.arrive $0xFFFF  }
0x5f: {  	p0 =	sne.s32 s0, $0x0;
	_ =	strace $0x90000047  }
0x60: {  	s0 =	sadd.s32 @!p0 $0x100000, s1;
	[bflag:$0x2] =	sbarrier.arrive $0xFFFF  }
0x61: {  	[sflag:s0] =	ssyncadd.tile.s32 @!p0 $0x1;
	_ =	shalt  }
.Lfunc_end2:
_tile_overlayer_lowered:
.L_overlay_start_2:
0x62: {  	(tag) =	ssettag $0x2  }
0x63: {  	s0 =	rddreg [dreg:$0x0];
	s2 =	stileid.u32  }
0x64: {  	s1 =	rddreg [dreg:$0x1];
	p0 =	sne.s32 s2, $0x0  }
0x65: {  	s3 =	rddreg [dreg:$0x2];
	[bflag:$0x3] =	sbarrier.arrive $0xFFFF;
	s2 =	simm.s32 @!p0 $0x1C03  }
0x66: {  	[timem:s3], [sflag:s2] =	dma.local @!p0 [hbm:s0], s1  }
0x67: {  	s0 =	simm.s32 @!p0 $0x3  }
0x68: {  	_ =	swait.ge @!p0 [sflag:s0], s1  }
0x69: {  	s1 =	ssub.s32 @!p0 $0x0, s1;
	[sflag:s0] =	ssyncset.done @!p0 $0x0  }
0x6a: {  	[sflag:s0] =	ssyncadd.s32 @!p0 s1  }
0x6b: {  	[bflag:$0x3] =	sbarrier.arrive $0xFFFF  }
0x6c: {  	_ =	shalt  }

</sc_bundles>
